<compile_context>
chip_gen: v7x
topology: tpu7x:2x2x1
jax: 0.10.2.dev20260603
libtpu: 0.0.44.dev20260713+nightly
codegen_flags: <defaults>
</compile_context>

<pallas_src>
import functools

import jax
import jax.numpy as jnp
from jax import lax
from jax.experimental import pallas as pl
from jax.experimental.pallas import tpu as pltpu
from jax.experimental.pallas import tpu_sc as plsc

_N_NODES = 10000
_D = 128
_G = 100
_CHUNK = 104
_NCHW = 3
_PER_W = _CHUNK * _NCHW
_NW = 32
_TAIL = _N_NODES - _PER_W * _NW
_TAIL_BASE = _PER_W * _NW
_BROWS = 79
_BPAD = _BROWS * 128 - _N_NODES


def _sub_rows(dst, src, nrows):
    def body(r, carry):
        for k in range(_D // 16):
            sl = pl.ds(k * 16, 16)
            dst[r, sl] = dst[r, sl] - src[r, sl]
        return carry

    lax.fori_loop(0, nrows, body, 0)


def _sc_segment_sums(x, x_reactant, batch_i32, z128):
    mesh = plsc.VectorSubcoreMesh(core_axis_name="c", subcore_axis_name="s")

    @functools.partial(
        pl.kernel,
        mesh=mesh,
        out_type=jax.ShapeDtypeStruct((2, _G, _D), jnp.float32),
        scratch_types=[
            pltpu.VMEM((_CHUNK, _D), jnp.float32),
            pltpu.VMEM((_CHUNK, _D), jnp.float32),
            pltpu.VMEM((_CHUNK, _D), jnp.float32),
            pltpu.VMEM((_CHUNK, _D), jnp.float32),
            pltpu.VMEM((_CHUNK, _D), jnp.float32),
            pltpu.VMEM((_CHUNK, _D), jnp.float32),
            pltpu.VMEM((_CHUNK,), jnp.int32),
            pltpu.VMEM((_CHUNK,), jnp.int32),
            pltpu.VMEM((_CHUNK,), jnp.int32),
            pltpu.VMEM((_TAIL, _D), jnp.float32),
            pltpu.VMEM((_TAIL, _D), jnp.float32),
            pltpu.VMEM((_TAIL,), jnp.int32),
            pltpu.VMEM_SHARED((_G, _D), jnp.float32),
            pltpu.SemaphoreType.DMA,
            pltpu.SemaphoreType.DMA,
            pltpu.SemaphoreType.DMA,
            pltpu.SemaphoreType.DMA,
        ],
    )
    def seg_sum_kernel(x_hbm, xr_hbm, b_hbm, z128_hbm,
                       outd_hbm,
                       xa0, xa1, xa2, xb0, xb1, xb2, i0, i1, i2,
                       xt, xrt, it,
                       accd_s,
                       sg0, sg1, sg2, ss):
        c = lax.axis_index("c")
        s = lax.axis_index("s")
        wid = s * 2 + c
        xa = (xa0, xa1, xa2)
        xb = (xb0, xb1, xb2)
        ii = (i0, i1, i2)
        sg = (sg0, sg1, sg2)

        @pl.when(s == 0)
        def _zero_shared():
            pltpu.sync_copy(z128_hbm, accd_s)

        base0 = wid * _PER_W
        gathers = []
        for t in range(_NCHW):
            b = pl.multiple_of(base0 + t * _CHUNK, 8)
            gathers.append((
                pltpu.async_copy(x_hbm.at[pl.ds(b, _CHUNK), :], xa[t], sg[t]),
                pltpu.async_copy(xr_hbm.at[pl.ds(b, _CHUNK), :], xb[t], sg[t]),
                pltpu.async_copy(b_hbm.at[pl.ds(b, _CHUNK)], ii[t], sg[t]),
            ))

        plsc.subcore_barrier()

        scatters = []
        for t in range(_NCHW):
            for d in gathers[t]:
                d.wait()
            _sub_rows(xa[t], xb[t], _CHUNK)
            scatters.append(
                pltpu.async_copy(xa[t], accd_s.at[ii[t]], ss, add=True))
        for d in scatters:
            d.wait()

        @pl.when(wid == _NW - 1)
        def _tail():
            pltpu.sync_copy(x_hbm.at[pl.ds(_TAIL_BASE, _TAIL), :], xt)
            pltpu.sync_copy(xr_hbm.at[pl.ds(_TAIL_BASE, _TAIL), :], xrt)
            pltpu.sync_copy(b_hbm.at[pl.ds(_TAIL_BASE, _TAIL)], it)
            _sub_rows(xt, xrt, _TAIL)
            pltpu.sync_copy(xt, accd_s.at[it], add=True)

        plsc.subcore_barrier()

        @pl.when(s == 0)
        def _write_out():
            pltpu.sync_copy(accd_s, outd_hbm.at[c])

    return seg_sum_kernel(x, x_reactant, batch_i32, z128)


def _count_denom(bpad):
    def body(b_ref, o_ref):
        gcol = lax.broadcasted_iota(jnp.int32, (_G, 1), 0)
        counts = jnp.zeros((_G, 128), jnp.float32)
        for r in range(_BROWS):
            row = b_ref[r, :].reshape(1, 128)
            counts = counts + (row == gcol).astype(jnp.float32)
        total = jnp.sum(counts, axis=1, keepdims=True)
        o_ref[...] = jnp.maximum(total, 1.0) * jnp.ones((_G, _D), jnp.float32)

    return pl.pallas_call(
        body,
        out_shape=jax.ShapeDtypeStruct((_G, _D), jnp.float32),
    )(bpad)


def _finalize(u, u_reactant, accd, denom):
    def body(u_ref, ur_ref, ad_ref, dn_ref, o_ref):
        ssum = ad_ref[0] + ad_ref[1]
        du = u_ref[...] - ur_ref[...]
        o_ref[...] = jnp.concatenate(
            [du, ssum / dn_ref[...], jnp.zeros((_G, 16), jnp.float32)],
            axis=1)

    return pl.pallas_call(
        body,
        out_shape=jax.ShapeDtypeStruct((_G, 32 + _D + 16), jnp.float32),
    )(u, u_reactant, accd, denom)


def kernel(x, x_reactant, edge_index, edge_attr, u, u_reactant, batch):
    del edge_index, edge_attr
    batch_i32 = batch.astype(jnp.int32)
    z128 = jnp.zeros((_G, _D), jnp.float32)
    accd = _sc_segment_sums(x, x_reactant, batch_i32, z128)
    bpad = jnp.pad(batch_i32, (0, _BPAD),
                   constant_values=127).reshape(_BROWS, 128)
    denom = _count_denom(bpad)
    return _finalize(u, u_reactant, accd, denom)

# --- scband reference (transcript-rebuilt; emitter-appended) ---
"""Pipeline reference for scband-graph2-property-model-37692632990074 (READ-ONLY COPY).

The authoritative reference and input builder live on the scoring server;
editing this copy changes nothing except your own understanding.
"""

import jax, jax.numpy as jnp
import numpy as np

N_NODES = 10000
N_EDGES = 320000
D_FEAT = 128
D_EDGE = 16
N_GRAPHS = 100
D_GLOBAL = 32


def global_mean_pool(feat, seg_ids, num_segments):
    sums = jax.ops.segment_sum(feat, seg_ids, num_segments=num_segments)
    counts = jax.ops.segment_sum(jnp.ones((feat.shape[0], 1), dtype=feat.dtype), seg_ids, num_segments=num_segments)
    return sums / jnp.maximum(counts, 1.0)


def setup_inputs(seed: int = 0) -> dict:
    key = jax.random.key(seed)
    k1, k2, k3, k4, k5, k6, k7 = jax.random.split(key, 7)
    x = jax.random.normal(k1, (N_NODES, D_FEAT), dtype=jnp.float32)
    x_reactant = jax.random.normal(k2, (N_NODES, D_FEAT), dtype=jnp.float32)
    edge_index = jax.random.randint(k3, (2, N_EDGES), 0, N_NODES, dtype=jnp.int64)
    edge_attr = jax.random.normal(k4, (N_EDGES, D_EDGE), dtype=jnp.float32)
    u = jax.random.normal(k5, (N_GRAPHS, D_GLOBAL), dtype=jnp.float32)
    u_reactant = jax.random.normal(k6, (N_GRAPHS, D_GLOBAL), dtype=jnp.float32)
    batch = jnp.sort(jax.random.randint(k7, (N_NODES,), 0, N_GRAPHS, dtype=jnp.int64))
    return {"x": x, "x_reactant": x_reactant, "edge_index": edge_index, "edge_attr": edge_attr, "u": u, "u_reactant": u_reactant, "batch": batch}


def reference(x, x_reactant, edge_index, edge_attr, u, u_reactant, batch):
    row = edge_index[0]
    n_graphs = u.shape[0]
    averaged_node_features = global_mean_pool(x, batch, n_graphs)
    averaged_edge_features = global_mean_pool(edge_attr, jnp.take(batch, row), n_graphs)
    out = jnp.concatenate([u, averaged_node_features, averaged_edge_features], axis=1)
    averaged_node_features_reactant = global_mean_pool(x_reactant, batch, n_graphs)
    out_reactant = jnp.concatenate([u_reactant, averaged_node_features_reactant, averaged_edge_features], axis=1)
    out = out - out_reactant
    return out

if __name__ == "__main__":
    import jax
    _d = setup_inputs()
    print(jax.jit(kernel)(*tuple(_d.values())))

</pallas_src>

<mosaic_0001>
#map = affine_map<(d0, d1) -> (0, 0)>
#map1 = affine_map<(d0, d1) -> (0)>
#map2 = affine_map<(d0, d1) -> (0, 0, 0)>
module attributes {stable_mosaic.version = 14 : i64} {
  func.func @seg_sum_kernel(%arg0: i32, %arg1: i32, %arg2: memref<10000x128xf32, #tpu.memory_space<hbm>>, %arg3: memref<10000x128xf32, #tpu.memory_space<hbm>>, %arg4: memref<10000xi32, #tpu.memory_space<hbm>>, %arg5: memref<100x128xf32, #tpu.memory_space<hbm>>, %arg6: memref<2x100x128xf32, #tpu.memory_space<hbm>>, %arg7: memref<104x128xf32, #tpu.memory_space<vmem>>, %arg8: memref<104x128xf32, #tpu.memory_space<vmem>>, %arg9: memref<104x128xf32, #tpu.memory_space<vmem>>, %arg10: memref<104x128xf32, #tpu.memory_space<vmem>>, %arg11: memref<104x128xf32, #tpu.memory_space<vmem>>, %arg12: memref<104x128xf32, #tpu.memory_space<vmem>>, %arg13: memref<104xi32, #tpu.memory_space<vmem>>, %arg14: memref<104xi32, #tpu.memory_space<vmem>>, %arg15: memref<104xi32, #tpu.memory_space<vmem>>, %arg16: memref<16x128xf32, #tpu.memory_space<vmem>>, %arg17: memref<16x128xf32, #tpu.memory_space<vmem>>, %arg18: memref<16xi32, #tpu.memory_space<vmem>>, %arg19: memref<100x128xf32, #tpu.memory_space<vmem_shared>>, %arg20: memref<!tpu.dma_semaphore, #tpu.memory_space<semaphore_mem>>, %arg21: memref<!tpu.dma_semaphore, #tpu.memory_space<semaphore_mem>>, %arg22: memref<!tpu.dma_semaphore, #tpu.memory_space<semaphore_mem>>, %arg23: memref<!tpu.dma_semaphore, #tpu.memory_space<semaphore_mem>>) attributes {dimension_semantics = [#tpu.dimension_semantics<core_parallel>, #tpu.dimension_semantics<subcore_parallel>], iteration_bounds = array<i64: 2, 16>, scalar_prefetch = 0 : i64, scratch_operands = 17 : i64, tpu.core_type = #tpu.core_type<sc_vector_subcore>, window_params = [{transform_indices = #map}, {transform_indices = #map}, {transform_indices = #map1}, {transform_indices = #map}, {transform_indices = #map2}]} {
    %mul3A = arith.constant 2 : i32
    %mul3A_0 = arith.muli %arg1, %mul3A : i32
    %add3A = arith.addi %mul3A_0, %arg0 : i32
    %eq3A = arith.constant 0 : i32
    %eq3A_1 = arith.cmpi eq, %arg1, %eq3A : i32
    %convert_element_type3A = arith.extui %eq3A_1 : i1 to i32
    %cond3A = arith.constant 0 : i32
    %cond3A_2 = arith.cmpi ne, %convert_element_type3A, %cond3A : i32
    scf.if %cond3A_2 {
      "tpu.region"() ({
        %run_scoped3A = tpu.sem_alloc : memref<!tpu.dma_semaphore, #tpu.memory_space<semaphore_mem>>
        tpu.enqueue_dma source(%arg5 : memref<100x128xf32, #tpu.memory_space<hbm>>) target(%arg19 : memref<100x128xf32, #tpu.memory_space<vmem_shared>>) target_semaphore(%run_scoped3A : memref<!tpu.dma_semaphore, #tpu.memory_space<semaphore_mem>>)
        tpu.wait_dma2 semaphore(%run_scoped3A : memref<!tpu.dma_semaphore, #tpu.memory_space<semaphore_mem>>) src(%arg5 : memref<100x128xf32, #tpu.memory_space<hbm>>) dst(%arg19 : memref<100x128xf32, #tpu.memory_space<vmem_shared>>)
        tpu.yield
      }) : () -> ()
    } else {
    }
    %mul3A_3 = arith.constant 312 : i32
    %mul3A_4 = arith.muli %add3A, %mul3A_3 : i32
    %add3A_5 = arith.constant 0 : i32
    %add3A_6 = arith.addi %mul3A_4, %add3A_5 : i32
    %multiple_of3A = tpu.assume_multiple %add3A_6, 8 : i32
    %dma_start3A = arith.constant 0 : i32
    %dma_start3A_7 = tpu.memref_slice %arg2[%multiple_of3A, %dma_start3A] : memref<10000x128xf32, #tpu.memory_space<hbm>> -> memref<104x128xf32, #tpu.memory_space<hbm>>
    %dma_start3A_8 = arith.constant 0 : i32
    %dma_start3A_9 = tpu.memref_slice %arg2[%multiple_of3A, %dma_start3A_8] : memref<10000x128xf32, #tpu.memory_space<hbm>> -> memref<104x128xf32, #tpu.memory_space<hbm>>
    tpu.enqueue_dma source(%dma_start3A_9 : memref<104x128xf32, #tpu.memory_space<hbm>>) target(%arg7 : memref<104x128xf32, #tpu.memory_space<vmem>>) target_semaphore(%arg20 : memref<!tpu.dma_semaphore, #tpu.memory_space<semaphore_mem>>)
    %dma_start3A_10 = arith.constant 0 : i32
    %dma_start3A_11 = tpu.memref_slice %arg3[%multiple_of3A, %dma_start3A_10] : memref<10000x128xf32, #tpu.memory_space<hbm>> -> memref<104x128xf32, #tpu.memory_space<hbm>>
    %dma_start3A_12 = arith.constant 0 : i32
    %dma_start3A_13 = tpu.memref_slice %arg3[%multiple_of3A, %dma_start3A_12] : memref<10000x128xf32, #tpu.memory_space<hbm>> -> memref<104x128xf32, #tpu.memory_space<hbm>>
    tpu.enqueue_dma source(%dma_start3A_13 : memref<104x128xf32, #tpu.memory_space<hbm>>) target(%arg10 : memref<104x128xf32, #tpu.memory_space<vmem>>) target_semaphore(%arg20 : memref<!tpu.dma_semaphore, #tpu.memory_space<semaphore_mem>>)
    %dma_start3A_14 = tpu.memref_slice %arg4[%multiple_of3A] : memref<10000xi32, #tpu.memory_space<hbm>> -> memref<104xi32, #tpu.memory_space<hbm>>
    %dma_start3A_15 = tpu.memref_slice %arg4[%multiple_of3A] : memref<10000xi32, #tpu.memory_space<hbm>> -> memref<104xi32, #tpu.memory_space<hbm>>
    tpu.enqueue_dma source(%dma_start3A_15 : memref<104xi32, #tpu.memory_space<hbm>>) target(%arg13 : memref<104xi32, #tpu.memory_space<vmem>>) target_semaphore(%arg20 : memref<!tpu.dma_semaphore, #tpu.memory_space<semaphore_mem>>)
    %add3A_16 = arith.constant 104 : i32
    %add3A_17 = arith.addi %mul3A_4, %add3A_16 : i32
    %multiple_of3A_18 = tpu.assume_multiple %add3A_17, 8 : i32
    %dma_start3A_19 = arith.constant 0 : i32
    %dma_start3A_20 = tpu.memref_slice %arg2[%multiple_of3A_18, %dma_start3A_19] : memref<10000x128xf32, #tpu.memory_space<hbm>> -> memref<104x128xf32, #tpu.memory_space<hbm>>
    %dma_start3A_21 = arith.constant 0 : i32
    %dma_start3A_22 = tpu.memref_slice %arg2[%multiple_of3A_18, %dma_start3A_21] : memref<10000x128xf32, #tpu.memory_space<hbm>> -> memref<104x128xf32, #tpu.memory_space<hbm>>
    tpu.enqueue_dma source(%dma_start3A_22 : memref<104x128xf32, #tpu.memory_space<hbm>>) target(%arg8 : memref<104x128xf32, #tpu.memory_space<vmem>>) target_semaphore(%arg21 : memref<!tpu.dma_semaphore, #tpu.memory_space<semaphore_mem>>)
    %dma_start3A_23 = arith.constant 0 : i32
    %dma_start3A_24 = tpu.memref_slice %arg3[%multiple_of3A_18, %dma_start3A_23] : memref<10000x128xf32, #tpu.memory_space<hbm>> -> memref<104x128xf32, #tpu.memory_space<hbm>>
    %dma_start3A_25 = arith.constant 0 : i32
    %dma_start3A_26 = tpu.memref_slice %arg3[%multiple_of3A_18, %dma_start3A_25] : memref<10000x128xf32, #tpu.memory_space<hbm>> -> memref<104x128xf32, #tpu.memory_space<hbm>>
    tpu.enqueue_dma source(%dma_start3A_26 : memref<104x128xf32, #tpu.memory_space<hbm>>) target(%arg11 : memref<104x128xf32, #tpu.memory_space<vmem>>) target_semaphore(%arg21 : memref<!tpu.dma_semaphore, #tpu.memory_space<semaphore_mem>>)
    %dma_start3A_27 = tpu.memref_slice %arg4[%multiple_of3A_18] : memref<10000xi32, #tpu.memory_space<hbm>> -> memref<104xi32, #tpu.memory_space<hbm>>
    %dma_start3A_28 = tpu.memref_slice %arg4[%multiple_of3A_18] : memref<10000xi32, #tpu.memory_space<hbm>> -> memref<104xi32, #tpu.memory_space<hbm>>
    tpu.enqueue_dma source(%dma_start3A_28 : memref<104xi32, #tpu.memory_space<hbm>>) target(%arg14 : memref<104xi32, #tpu.memory_space<vmem>>) target_semaphore(%arg21 : memref<!tpu.dma_semaphore, #tpu.memory_space<semaphore_mem>>)
    %add3A_29 = arith.constant 208 : i32
    %add3A_30 = arith.addi %mul3A_4, %add3A_29 : i32
    %multiple_of3A_31 = tpu.assume_multiple %add3A_30, 8 : i32
    %dma_start3A_32 = arith.constant 0 : i32
    %dma_start3A_33 = tpu.memref_slice %arg2[%multiple_of3A_31, %dma_start3A_32] : memref<10000x128xf32, #tpu.memory_space<hbm>> -> memref<104x128xf32, #tpu.memory_space<hbm>>
    %dma_start3A_34 = arith.constant 0 : i32
    %dma_start3A_35 = tpu.memref_slice %arg2[%multiple_of3A_31, %dma_start3A_34] : memref<10000x128xf32, #tpu.memory_space<hbm>> -> memref<104x128xf32, #tpu.memory_space<hbm>>
    tpu.enqueue_dma source(%dma_start3A_35 : memref<104x128xf32, #tpu.memory_space<hbm>>) target(%arg9 : memref<104x128xf32, #tpu.memory_space<vmem>>) target_semaphore(%arg22 : memref<!tpu.dma_semaphore, #tpu.memory_space<semaphore_mem>>)
    %dma_start3A_36 = arith.constant 0 : i32
    %dma_start3A_37 = tpu.memref_slice %arg3[%multiple_of3A_31, %dma_start3A_36] : memref<10000x128xf32, #tpu.memory_space<hbm>> -> memref<104x128xf32, #tpu.memory_space<hbm>>
    %dma_start3A_38 = arith.constant 0 : i32
    %dma_start3A_39 = tpu.memref_slice %arg3[%multiple_of3A_31, %dma_start3A_38] : memref<10000x128xf32, #tpu.memory_space<hbm>> -> memref<104x128xf32, #tpu.memory_space<hbm>>
    tpu.enqueue_dma source(%dma_start3A_39 : memref<104x128xf32, #tpu.memory_space<hbm>>) target(%arg12 : memref<104x128xf32, #tpu.memory_space<vmem>>) target_semaphore(%arg22 : memref<!tpu.dma_semaphore, #tpu.memory_space<semaphore_mem>>)
    %dma_start3A_40 = tpu.memref_slice %arg4[%multiple_of3A_31] : memref<10000xi32, #tpu.memory_space<hbm>> -> memref<104xi32, #tpu.memory_space<hbm>>
    %dma_start3A_41 = tpu.memref_slice %arg4[%multiple_of3A_31] : memref<10000xi32, #tpu.memory_space<hbm>> -> memref<104xi32, #tpu.memory_space<hbm>>
    tpu.enqueue_dma source(%dma_start3A_41 : memref<104xi32, #tpu.memory_space<hbm>>) target(%arg15 : memref<104xi32, #tpu.memory_space<vmem>>) target_semaphore(%arg22 : memref<!tpu.dma_semaphore, #tpu.memory_space<semaphore_mem>>)
    %barrier3A = arith.constant 0 : index
    tpu.barrier barrier_id(%barrier3A)
    %dma_wait3A = arith.constant 0 : i32
    %dma_wait3A_42 = tpu.memref_slice %arg2[%multiple_of3A, %dma_wait3A] : memref<10000x128xf32, #tpu.memory_space<hbm>> -> memref<104x128xf32, #tpu.memory_space<hbm>>
    %dma_wait3A_43 = arith.constant 0 : i32
    %dma_wait3A_44 = tpu.memref_slice %arg2[%multiple_of3A, %dma_wait3A_43] : memref<10000x128xf32, #tpu.memory_space<hbm>> -> memref<104x128xf32, #tpu.memory_space<hbm>>
    tpu.wait_dma2 semaphore(%arg20 : memref<!tpu.dma_semaphore, #tpu.memory_space<semaphore_mem>>) src(%dma_wait3A_44 : memref<104x128xf32, #tpu.memory_space<hbm>>) dst(%arg7 : memref<104x128xf32, #tpu.memory_space<vmem>>)
    %dma_wait3A_45 = arith.constant 0 : i32
    %dma_wait3A_46 = tpu.memref_slice %arg3[%multiple_of3A, %dma_wait3A_45] : memref<10000x128xf32, #tpu.memory_space<hbm>> -> memref<104x128xf32, #tpu.memory_space<hbm>>
    %dma_wait3A_47 = arith.constant 0 : i32
    %dma_wait3A_48 = tpu.memref_slice %arg3[%multiple_of3A, %dma_wait3A_47] : memref<10000x128xf32, #tpu.memory_space<hbm>> -> memref<104x128xf32, #tpu.memory_space<hbm>>
    tpu.wait_dma2 semaphore(%arg20 : memref<!tpu.dma_semaphore, #tpu.memory_space<semaphore_mem>>) src(%dma_wait3A_48 : memref<104x128xf32, #tpu.memory_space<hbm>>) dst(%arg10 : memref<104x128xf32, #tpu.memory_space<vmem>>)
    %dma_wait3A_49 = tpu.memref_slice %arg4[%multiple_of3A] : memref<10000xi32, #tpu.memory_space<hbm>> -> memref<104xi32, #tpu.memory_space<hbm>>
    %dma_wait3A_50 = tpu.memref_slice %arg4[%multiple_of3A] : memref<10000xi32, #tpu.memory_space<hbm>> -> memref<104xi32, #tpu.memory_space<hbm>>
    tpu.wait_dma2 semaphore(%arg20 : memref<!tpu.dma_semaphore, #tpu.memory_space<semaphore_mem>>) src(%dma_wait3A_50 : memref<104xi32, #tpu.memory_space<hbm>>) dst(%arg13 : memref<104xi32, #tpu.memory_space<vmem>>)
    %scan3A = arith.constant 0 : i32
    %scan3A_51 = arith.constant 0 : i32
    %scan3A_52 = arith.constant 104 : i32
    %scan3A_53 = arith.addi %scan3A_51, %scan3A_52 : i32
    %scan3A_54 = arith.constant 1 : i32
    scf.for %scan3A_117 = %scan3A_51 to %scan3A_53 step %scan3A_54  : i32 {
      %get3A = arith.index_cast %scan3A_117 : i32 to index
      %get3A_118 = arith.constant 0 : index
      %get3A_119 = tpu.vector_load %arg7[%get3A, %get3A_118] {strides = array<i32>} : memref<104x128xf32, #tpu.memory_space<vmem>>, vector<1x16xf32>,
      %get3A_120 = vector.shape_cast %get3A_119 : vector<1x16xf32> to vector<16xf32>
      %get3A_121 = arith.index_cast %scan3A_117 : i32 to index
      %get3A_122 = arith.constant 0 : index
      %get3A_123 = tpu.vector_load %arg10[%get3A_121, %get3A_122] {strides = array<i32>} : memref<104x128xf32, #tpu.memory_space<vmem>>, vector<1x16xf32>,
      %get3A_124 = vector.shape_cast %get3A_123 : vector<1x16xf32> to vector<16xf32>
      %sub3A = arith.subf %get3A_120, %get3A_124 : vector<16xf32>
      %swap3A = arith.index_cast %scan3A_117 : i32 to index
      %swap3A_125 = arith.constant 0 : index
      %swap3A_126 = tpu.vector_load %arg7[%swap3A, %swap3A_125] {strides = array<i32>} : memref<104x128xf32, #tpu.memory_space<vmem>>, vector<1x16xf32>,
      %swap3A_127 = vector.shape_cast %swap3A_126 : vector<1x16xf32> to vector<16xf32>
      %swap3A_128 = vector.shape_cast %sub3A : vector<16xf32> to vector<1x16xf32>
      tpu.vector_store %arg7[%swap3A, %swap3A_125], %swap3A_128 {strides = array<i32>} : memref<104x128xf32, #tpu.memory_space<vmem>>, vector<1x16xf32>,
      %get3A_129 = arith.index_cast %scan3A_117 : i32 to index
      %get3A_130 = arith.constant 16 : index
      %get3A_131 = tpu.vector_load %arg7[%get3A_129, %get3A_130] {strides = array<i32>} : memref<104x128xf32, #tpu.memory_space<vmem>>, vector<1x16xf32>,
      %get3A_132 = vector.shape_cast %get3A_131 : vector<1x16xf32> to vector<16xf32>
      %get3A_133 = arith.index_cast %scan3A_117 : i32 to index
      %get3A_134 = arith.constant 16 : index
      %get3A_135 = tpu.vector_load %arg10[%get3A_133, %get3A_134] {strides = array<i32>} : memref<104x128xf32, #tpu.memory_space<vmem>>, vector<1x16xf32>,
      %get3A_136 = vector.shape_cast %get3A_135 : vector<1x16xf32> to vector<16xf32>
      %sub3A_137 = arith.subf %get3A_132, %get3A_136 : vector<16xf32>
      %swap3A_138 = arith.index_cast %scan3A_117 : i32 to index
      %swap3A_139 = arith.constant 16 : index
      %swap3A_140 = tpu.vector_load %arg7[%swap3A_138, %swap3A_139] {strides = array<i32>} : memref<104x128xf32, #tpu.memory_space<vmem>>, vector<1x16xf32>,
      %swap3A_141 = vector.shape_cast %swap3A_140 : vector<1x16xf32> to vector<16xf32>
      %swap3A_142 = vector.shape_cast %sub3A_137 : vector<16xf32> to vector<1x16xf32>
      tpu.vector_store %arg7[%swap3A_138, %swap3A_139], %swap3A_142 {strides = array<i32>} : memref<104x128xf32, #tpu.memory_space<vmem>>, vector<1x16xf32>,
      %get3A_143 = arith.index_cast %scan3A_117 : i32 to index
      %get3A_144 = arith.constant 32 : index
      %get3A_145 = tpu.vector_load %arg7[%get3A_143, %get3A_144] {strides = array<i32>} : memref<104x128xf32, #tpu.memory_space<vmem>>, vector<1x16xf32>,
      %get3A_146 = vector.shape_cast %get3A_145 : vector<1x16xf32> to vector<16xf32>
      %get3A_147 = arith.index_cast %scan3A_117 : i32 to index
      %get3A_148 = arith.constant 32 : index
      %get3A_149 = tpu.vector_load %arg10[%get3A_147, %get3A_148] {strides = array<i32>} : memref<104x128xf32, #tpu.memory_space<vmem>>, vector<1x16xf32>,
      %get3A_150 = vector.shape_cast %get3A_149 : vector<1x16xf32> to vector<16xf32>
      %sub3A_151 = arith.subf %get3A_146, %get3A_150 : vector<16xf32>
      %swap3A_152 = arith.index_cast %scan3A_117 : i32 to index
      %swap3A_153 = arith.constant 32 : index
      %swap3A_154 = tpu.vector_load %arg7[%swap3A_152, %swap3A_153] {strides = array<i32>} : memref<104x128xf32, #tpu.memory_space<vmem>>, vector<1x16xf32>,
      %swap3A_155 = vector.shape_cast %swap3A_154 : vector<1x16xf32> to vector<16xf32>
      %swap3A_156 = vector.shape_cast %sub3A_151 : vector<16xf32> to vector<1x16xf32>
      tpu.vector_store %arg7[%swap3A_152, %swap3A_153], %swap3A_156 {strides = array<i32>} : memref<104x128xf32, #tpu.memory_space<vmem>>, vector<1x16xf32>,
      %get3A_157 = arith.index_cast %scan3A_117 : i32 to index
      %get3A_158 = arith.constant 48 : index
      %get3A_159 = tpu.vector_load %arg7[%get3A_157, %get3A_158] {strides = array<i32>} : memref<104x128xf32, #tpu.memory_space<vmem>>, vector<1x16xf32>,
      %get3A_160 = vector.shape_cast %get3A_159 : vector<1x16xf32> to vector<16xf32>
      %get3A_161 = arith.index_cast %scan3A_117 : i32 to index
      %get3A_162 = arith.constant 48 : index
      %get3A_163 = tpu.vector_load %arg10[%get3A_161, %get3A_162] {strides = array<i32>} : memref<104x128xf32, #tpu.memory_space<vmem>>, vector<1x16xf32>,
      %get3A_164 = vector.shape_cast %get3A_163 : vector<1x16xf32> to vector<16xf32>
      %sub3A_165 = arith.subf %get3A_160, %get3A_164 : vector<16xf32>
      %swap3A_166 = arith.index_cast %scan3A_117 : i32 to index
      %swap3A_167 = arith.constant 48 : index
      %swap3A_168 = tpu.vector_load %arg7[%swap3A_166, %swap3A_167] {strides = array<i32>} : memref<104x128xf32, #tpu.memory_space<vmem>>, vector<1x16xf32>,
      %swap3A_169 = vector.shape_cast %swap3A_168 : vector<1x16xf32> to vector<16xf32>
      %swap3A_170 = vector.shape_cast %sub3A_165 : vector<16xf32> to vector<1x16xf32>
      tpu.vector_store %arg7[%swap3A_166, %swap3A_167], %swap3A_170 {strides = array<i32>} : memref<104x128xf32, #tpu.memory_space<vmem>>, vector<1x16xf32>,
      %get3A_171 = arith.index_cast %scan3A_117 : i32 to index
      %get3A_172 = arith.constant 64 : index
      %get3A_173 = tpu.vector_load %arg7[%get3A_171, %get3A_172] {strides = array<i32>} : memref<104x128xf32, #tpu.memory_space<vmem>>, vector<1x16xf32>,
      %get3A_174 = vector.shape_cast %get3A_173 : vector<1x16xf32> to vector<16xf32>
      %get3A_175 = arith.index_cast %scan3A_117 : i32 to index
      %get3A_176 = arith.constant 64 : index
      %get3A_177 = tpu.vector_load %arg10[%get3A_175, %get3A_176] {strides = array<i32>} : memref<104x128xf32, #tpu.memory_space<vmem>>, vector<1x16xf32>,
      %get3A_178 = vector.shape_cast %get3A_177 : vector<1x16xf32> to vector<16xf32>
      %sub3A_179 = arith.subf %get3A_174, %get3A_178 : vector<16xf32>
      %swap3A_180 = arith.index_cast %scan3A_117 : i32 to index
      %swap3A_181 = arith.constant 64 : index
      %swap3A_182 = tpu.vector_load %arg7[%swap3A_180, %swap3A_181] {strides = array<i32>} : memref<104x128xf32, #tpu.memory_space<vmem>>, vector<1x16xf32>,
      %swap3A_183 = vector.shape_cast %swap3A_182 : vector<1x16xf32> to vector<16xf32>
      %swap3A_184 = vector.shape_cast %sub3A_179 : vector<16xf32> to vector<1x16xf32>
      tpu.vector_store %arg7[%swap3A_180, %swap3A_181], %swap3A_184 {strides = array<i32>} : memref<104x128xf32, #tpu.memory_space<vmem>>, vector<1x16xf32>,
      %get3A_185 = arith.index_cast %scan3A_117 : i32 to index
      %get3A_186 = arith.constant 80 : index
      %get3A_187 = tpu.vector_load %arg7[%get3A_185, %get3A_186] {strides = array<i32>} : memref<104x128xf32, #tpu.memory_space<vmem>>, vector<1x16xf32>,
      %get3A_188 = vector.shape_cast %get3A_187 : vector<1x16xf32> to vector<16xf32>
      %get3A_189 = arith.index_cast %scan3A_117 : i32 to index
      %get3A_190 = arith.constant 80 : index
      %get3A_191 = tpu.vector_load %arg10[%get3A_189, %get3A_190] {strides = array<i32>} : memref<104x128xf32, #tpu.memory_space<vmem>>, vector<1x16xf32>,
      %get3A_192 = vector.shape_cast %get3A_191 : vector<1x16xf32> to vector<16xf32>
      %sub3A_193 = arith.subf %get3A_188, %get3A_192 : vector<16xf32>
      %swap3A_194 = arith.index_cast %scan3A_117 : i32 to index
      %swap3A_195 = arith.constant 80 : index
      %swap3A_196 = tpu.vector_load %arg7[%swap3A_194, %swap3A_195] {strides = array<i32>} : memref<104x128xf32, #tpu.memory_space<vmem>>, vector<1x16xf32>,
      %swap3A_197 = vector.shape_cast %swap3A_196 : vector<1x16xf32> to vector<16xf32>
      %swap3A_198 = vector.shape_cast %sub3A_193 : vector<16xf32> to vector<1x16xf32>
      tpu.vector_store %arg7[%swap3A_194, %swap3A_195], %swap3A_198 {strides = array<i32>} : memref<104x128xf32, #tpu.memory_space<vmem>>, vector<1x16xf32>,
      %get3A_199 = arith.index_cast %scan3A_117 : i32 to index
      %get3A_200 = arith.constant 96 : index
      %get3A_201 = tpu.vector_load %arg7[%get3A_199, %get3A_200] {strides = array<i32>} : memref<104x128xf32, #tpu.memory_space<vmem>>, vector<1x16xf32>,
      %get3A_202 = vector.shape_cast %get3A_201 : vector<1x16xf32> to vector<16xf32>
      %get3A_203 = arith.index_cast %scan3A_117 : i32 to index
      %get3A_204 = arith.constant 96 : index
      %get3A_205 = tpu.vector_load %arg10[%get3A_203, %get3A_204] {strides = array<i32>} : memref<104x128xf32, #tpu.memory_space<vmem>>, vector<1x16xf32>,
      %get3A_206 = vector.shape_cast %get3A_205 : vector<1x16xf32> to vector<16xf32>
      %sub3A_207 = arith.subf %get3A_202, %get3A_206 : vector<16xf32>
      %swap3A_208 = arith.index_cast %scan3A_117 : i32 to index
      %swap3A_209 = arith.constant 96 : index
      %swap3A_210 = tpu.vector_load %arg7[%swap3A_208, %swap3A_209] {strides = array<i32>} : memref<104x128xf32, #tpu.memory_space<vmem>>, vector<1x16xf32>,
      %swap3A_211 = vector.shape_cast %swap3A_210 : vector<1x16xf32> to vector<16xf32>
      %swap3A_212 = vector.shape_cast %sub3A_207 : vector<16xf32> to vector<1x16xf32>
      tpu.vector_store %arg7[%swap3A_208, %swap3A_209], %swap3A_212 {strides = array<i32>} : memref<104x128xf32, #tpu.memory_space<vmem>>, vector<1x16xf32>,
      %get3A_213 = arith.index_cast %scan3A_117 : i32 to index
      %get3A_214 = arith.constant 112 : index
      %get3A_215 = tpu.vector_load %arg7[%get3A_213, %get3A_214] {strides = array<i32>} : memref<104x128xf32, #tpu.memory_space<vmem>>, vector<1x16xf32>,
      %get3A_216 = vector.shape_cast %get3A_215 : vector<1x16xf32> to vector<16xf32>
      %get3A_217 = arith.index_cast %scan3A_117 : i32 to index
      %get3A_218 = arith.constant 112 : index
      %get3A_219 = tpu.vector_load %arg10[%get3A_217, %get3A_218] {strides = array<i32>} : memref<104x128xf32, #tpu.memory_space<vmem>>, vector<1x16xf32>,
      %get3A_220 = vector.shape_cast %get3A_219 : vector<1x16xf32> to vector<16xf32>
      %sub3A_221 = arith.subf %get3A_216, %get3A_220 : vector<16xf32>
      %swap3A_222 = arith.index_cast %scan3A_117 : i32 to index
      %swap3A_223 = arith.constant 112 : index
      %swap3A_224 = tpu.vector_load %arg7[%swap3A_222, %swap3A_223] {strides = array<i32>} : memref<104x128xf32, #tpu.memory_space<vmem>>, vector<1x16xf32>,
      %swap3A_225 = vector.shape_cast %swap3A_224 : vector<1x16xf32> to vector<16xf32>
      %swap3A_226 = vector.shape_cast %sub3A_221 : vector<16xf32> to vector<1x16xf32>
      tpu.vector_store %arg7[%swap3A_222, %swap3A_223], %swap3A_226 {strides = array<i32>} : memref<104x128xf32, #tpu.memory_space<vmem>>, vector<1x16xf32>,
    }
    %scan3A_55 = arith.constant 104 : i32
    %dma_start3A_56 = arith.constant 0 : i32
    %dma_start3A_57 = arith.constant 0 : i32
    %dma_start3A_58 = tpu.memref_slice %arg19[%dma_start3A_56, %dma_start3A_57] : memref<100x128xf32, #tpu.memory_space<vmem_shared>> -> memref<100x128xf32, #tpu.memory_space<vmem_shared>>
    tpu.enqueue_indirect_dma source(%arg7 : memref<104x128xf32, #tpu.memory_space<vmem>>) target(%dma_start3A_58 : memref<100x128xf32, #tpu.memory_space<vmem_shared>>) offsets(%arg13 : memref<104xi32, #tpu.memory_space<vmem>>) semaphore(%arg23 : memref<!tpu.dma_semaphore, #tpu.memory_space<semaphore_mem>>) {add = true}
    %dma_wait3A_59 = arith.constant 0 : i32
    %dma_wait3A_60 = tpu.memref_slice %arg2[%multiple_of3A_18, %dma_wait3A_59] : memref<10000x128xf32, #tpu.memory_space<hbm>> -> memref<104x128xf32, #tpu.memory_space<hbm>>
    %dma_wait3A_61 = arith.constant 0 : i32
    %dma_wait3A_62 = tpu.memref_slice %arg2[%multiple_of3A_18, %dma_wait3A_61] : memref<10000x128xf32, #tpu.memory_space<hbm>> -> memref<104x128xf32, #tpu.memory_space<hbm>>
    tpu.wait_dma2 semaphore(%arg21 : memref<!tpu.dma_semaphore, #tpu.memory_space<semaphore_mem>>) src(%dma_wait3A_62 : memref<104x128xf32, #tpu.memory_space<hbm>>) dst(%arg8 : memref<104x128xf32, #tpu.memory_space<vmem>>)
    %dma_wait3A_63 = arith.constant 0 : i32
    %dma_wait3A_64 = tpu.memref_slice %arg3[%multiple_of3A_18, %dma_wait3A_63] : memref<10000x128xf32, #tpu.memory_space<hbm>> -> memref<104x128xf32, #tpu.memory_space<hbm>>
    %dma_wait3A_65 = arith.constant 0 : i32
    %dma_wait3A_66 = tpu.memref_slice %arg3[%multiple_of3A_18, %dma_wait3A_65] : memref<10000x128xf32, #tpu.memory_space<hbm>> -> memref<104x128xf32, #tpu.memory_space<hbm>>
    tpu.wait_dma2 semaphore(%arg21 : memref<!tpu.dma_semaphore, #tpu.memory_space<semaphore_mem>>) src(%dma_wait3A_66 : memref<104x128xf32, #tpu.memory_space<hbm>>) dst(%arg11 : memref<104x128xf32, #tpu.memory_space<vmem>>)
    %dma_wait3A_67 = tpu.memref_slice %arg4[%multiple_of3A_18] : memref<10000xi32, #tpu.memory_space<hbm>> -> memref<104xi32, #tpu.memory_space<hbm>>
    %dma_wait3A_68 = tpu.memref_slice %arg4[%multiple_of3A_18] : memref<10000xi32, #tpu.memory_space<hbm>> -> memref<104xi32, #tpu.memory_space<hbm>>
    tpu.wait_dma2 semaphore(%arg21 : memref<!tpu.dma_semaphore, #tpu.memory_space<semaphore_mem>>) src(%dma_wait3A_68 : memref<104xi32, #tpu.memory_space<hbm>>) dst(%arg14 : memref<104xi32, #tpu.memory_space<vmem>>)
    %scan3A_69 = arith.constant 0 : i32
    %scan3A_70 = arith.constant 0 : i32
    %scan3A_71 = arith.constant 104 : i32
    %scan3A_72 = arith.addi %scan3A_70, %scan3A_71 : i32
    %scan3A_73 = arith.constant 1 : i32
    scf.for %scan3A_117 = %scan3A_70 to %scan3A_72 step %scan3A_73  : i32 {
      %get3A = arith.index_cast %scan3A_117 : i32 to index
      %get3A_118 = arith.constant 0 : index
      %get3A_119 = tpu.vector_load %arg8[%get3A, %get3A_118] {strides = array<i32>} : memref<104x128xf32, #tpu.memory_space<vmem>>, vector<1x16xf32>,
      %get3A_120 = vector.shape_cast %get3A_119 : vector<1x16xf32> to vector<16xf32>
      %get3A_121 = arith.index_cast %scan3A_117 : i32 to index
      %get3A_122 = arith.constant 0 : index
      %get3A_123 = tpu.vector_load %arg11[%get3A_121, %get3A_122] {strides = array<i32>} : memref<104x128xf32, #tpu.memory_space<vmem>>, vector<1x16xf32>,
      %get3A_124 = vector.shape_cast %get3A_123 : vector<1x16xf32> to vector<16xf32>
      %sub3A = arith.subf %get3A_120, %get3A_124 : vector<16xf32>
      %swap3A = arith.index_cast %scan3A_117 : i32 to index
      %swap3A_125 = arith.constant 0 : index
      %swap3A_126 = tpu.vector_load %arg8[%swap3A, %swap3A_125] {strides = array<i32>} : memref<104x128xf32, #tpu.memory_space<vmem>>, vector<1x16xf32>,
      %swap3A_127 = vector.shape_cast %swap3A_126 : vector<1x16xf32> to vector<16xf32>
      %swap3A_128 = vector.shape_cast %sub3A : vector<16xf32> to vector<1x16xf32>
      tpu.vector_store %arg8[%swap3A, %swap3A_125], %swap3A_128 {strides = array<i32>} : memref<104x128xf32, #tpu.memory_space<vmem>>, vector<1x16xf32>,
      %get3A_129 = arith.index_cast %scan3A_117 : i32 to index
      %get3A_130 = arith.constant 16 : index
      %get3A_131 = tpu.vector_load %arg8[%get3A_129, %get3A_130] {strides = array<i32>} : memref<104x128xf32, #tpu.memory_space<vmem>>, vector<1x16xf32>,
      %get3A_132 = vector.shape_cast %get3A_131 : vector<1x16xf32> to vector<16xf32>
      %get3A_133 = arith.index_cast %scan3A_117 : i32 to index
      %get3A_134 = arith.constant 16 : index
      %get3A_135 = tpu.vector_load %arg11[%get3A_133, %get3A_134] {strides = array<i32>} : memref<104x128xf32, #tpu.memory_space<vmem>>, vector<1x16xf32>,
      %get3A_136 = vector.shape_cast %get3A_135 : vector<1x16xf32> to vector<16xf32>
      %sub3A_137 = arith.subf %get3A_132, %get3A_136 : vector<16xf32>
      %swap3A_138 = arith.index_cast %scan3A_117 : i32 to index
      %swap3A_139 = arith.constant 16 : index
      %swap3A_140 = tpu.vector_load %arg8[%swap3A_138, %swap3A_139] {strides = array<i32>} : memref<104x128xf32, #tpu.memory_space<vmem>>, vector<1x16xf32>,
      %swap3A_141 = vector.shape_cast %swap3A_140 : vector<1x16xf32> to vector<16xf32>
      %swap3A_142 = vector.shape_cast %sub3A_137 : vector<16xf32> to vector<1x16xf32>
      tpu.vector_store %arg8[%swap3A_138, %swap3A_139], %swap3A_142 {strides = array<i32>} : memref<104x128xf32, #tpu.memory_space<vmem>>, vector<1x16xf32>,
      %get3A_143 = arith.index_cast %scan3A_117 : i32 to index
      %get3A_144 = arith.constant 32 : index
      %get3A_145 = tpu.vector_load %arg8[%get3A_143, %get3A_144] {strides = array<i32>} : memref<104x128xf32, #tpu.memory_space<vmem>>, vector<1x16xf32>,
      %get3A_146 = vector.shape_cast %get3A_145 : vector<1x16xf32> to vector<16xf32>
      %get3A_147 = arith.index_cast %scan3A_117 : i32 to index
      %get3A_148 = arith.constant 32 : index
      %get3A_149 = tpu.vector_load %arg11[%get3A_147, %get3A_148] {strides = array<i32>} : memref<104x128xf32, #tpu.memory_space<vmem>>, vector<1x16xf32>,
      %get3A_150 = vector.shape_cast %get3A_149 : vector<1x16xf32> to vector<16xf32>
      %sub3A_151 = arith.subf %get3A_146, %get3A_150 : vector<16xf32>
      %swap3A_152 = arith.index_cast %scan3A_117 : i32 to index
      %swap3A_153 = arith.constant 32 : index
      %swap3A_154 = tpu.vector_load %arg8[%swap3A_152, %swap3A_153] {strides = array<i32>} : memref<104x128xf32, #tpu.memory_space<vmem>>, vector<1x16xf32>,
      %swap3A_155 = vector.shape_cast %swap3A_154 : vector<1x16xf32> to vector<16xf32>
      %swap3A_156 = vector.shape_cast %sub3A_151 : vector<16xf32> to vector<1x16xf32>
      tpu.vector_store %arg8[%swap3A_152, %swap3A_153], %swap3A_156 {strides = array<i32>} : memref<104x128xf32, #tpu.memory_space<vmem>>, vector<1x16xf32>,
      %get3A_157 = arith.index_cast %scan3A_117 : i32 to index
      %get3A_158 = arith.constant 48 : index
      %get3A_159 = tpu.vector_load %arg8[%get3A_157, %get3A_158] {strides = array<i32>} : memref<104x128xf32, #tpu.memory_space<vmem>>, vector<1x16xf32>,
      %get3A_160 = vector.shape_cast %get3A_159 : vector<1x16xf32> to vector<16xf32>
      %get3A_161 = arith.index_cast %scan3A_117 : i32 to index
      %get3A_162 = arith.constant 48 : index
      %get3A_163 = tpu.vector_load %arg11[%get3A_161, %get3A_162] {strides = array<i32>} : memref<104x128xf32, #tpu.memory_space<vmem>>, vector<1x16xf32>,
      %get3A_164 = vector.shape_cast %get3A_163 : vector<1x16xf32> to vector<16xf32>
      %sub3A_165 = arith.subf %get3A_160, %get3A_164 : vector<16xf32>
      %swap3A_166 = arith.index_cast %scan3A_117 : i32 to index
      %swap3A_167 = arith.constant 48 : index
      %swap3A_168 = tpu.vector_load %arg8[%swap3A_166, %swap3A_167] {strides = array<i32>} : memref<104x128xf32, #tpu.memory_space<vmem>>, vector<1x16xf32>,
      %swap3A_169 = vector.shape_cast %swap3A_168 : vector<1x16xf32> to vector<16xf32>
      %swap3A_170 = vector.shape_cast %sub3A_165 : vector<16xf32> to vector<1x16xf32>
      tpu.vector_store %arg8[%swap3A_166, %swap3A_167], %swap3A_170 {strides = array<i32>} : memref<104x128xf32, #tpu.memory_space<vmem>>, vector<1x16xf32>,
      %get3A_171 = arith.index_cast %scan3A_117 : i32 to index
      %get3A_172 = arith.constant 64 : index
      %get3A_173 = tpu.vector_load %arg8[%get3A_171, %get3A_172] {strides = array<i32>} : memref<104x128xf32, #tpu.memory_space<vmem>>, vector<1x16xf32>,
      %get3A_174 = vector.shape_cast %get3A_173 : vector<1x16xf32> to vector<16xf32>
      %get3A_175 = arith.index_cast %scan3A_117 : i32 to index
      %get3A_176 = arith.constant 64 : index
      %get3A_177 = tpu.vector_load %arg11[%get3A_175, %get3A_176] {strides = array<i32>} : memref<104x128xf32, #tpu.memory_space<vmem>>, vector<1x16xf32>,
      %get3A_178 = vector.shape_cast %get3A_177 : vector<1x16xf32> to vector<16xf32>
      %sub3A_179 = arith.subf %get3A_174, %get3A_178 : vector<16xf32>
      %swap3A_180 = arith.index_cast %scan3A_117 : i32 to index
      %swap3A_181 = arith.constant 64 : index
      %swap3A_182 = tpu.vector_load %arg8[%swap3A_180, %swap3A_181] {strides = array<i32>} : memref<104x128xf32, #tpu.memory_space<vmem>>, vector<1x16xf32>,
      %swap3A_183 = vector.shape_cast %swap3A_182 : vector<1x16xf32> to vector<16xf32>
      %swap3A_184 = vector.shape_cast %sub3A_179 : vector<16xf32> to vector<1x16xf32>
      tpu.vector_store %arg8[%swap3A_180, %swap3A_181], %swap3A_184 {strides = array<i32>} : memref<104x128xf32, #tpu.memory_space<vmem>>, vector<1x16xf32>,
      %get3A_185 = arith.index_cast %scan3A_117 : i32 to index
      %get3A_186 = arith.constant 80 : index
      %get3A_187 = tpu.vector_load %arg8[%get3A_185, %get3A_186] {strides = array<i32>} : memref<104x128xf32, #tpu.memory_space<vmem>>, vector<1x16xf32>,
      %get3A_188 = vector.shape_cast %get3A_187 : vector<1x16xf32> to vector<16xf32>
      %get3A_189 = arith.index_cast %scan3A_117 : i32 to index
      %get3A_190 = arith.constant 80 : index
      %get3A_191 = tpu.vector_load %arg11[%get3A_189, %get3A_190] {strides = array<i32>} : memref<104x128xf32, #tpu.memory_space<vmem>>, vector<1x16xf32>,
      %get3A_192 = vector.shape_cast %get3A_191 : vector<1x16xf32> to vector<16xf32>
      %sub3A_193 = arith.subf %get3A_188, %get3A_192 : vector<16xf32>
      %swap3A_194 = arith.index_cast %scan3A_117 : i32 to index
      %swap3A_195 = arith.constant 80 : index
      %swap3A_196 = tpu.vector_load %arg8[%swap3A_194, %swap3A_195] {strides = array<i32>} : memref<104x128xf32, #tpu.memory_space<vmem>>, vector<1x16xf32>,
      %swap3A_197 = vector.shape_cast %swap3A_196 : vector<1x16xf32> to vector<16xf32>
      %swap3A_198 = vector.shape_cast %sub3A_193 : vector<16xf32> to vector<1x16xf32>
      tpu.vector_store %arg8[%swap3A_194, %swap3A_195], %swap3A_198 {strides = array<i32>} : memref<104x128xf32, #tpu.memory_space<vmem>>, vector<1x16xf32>,
      %get3A_199 = arith.index_cast %scan3A_117 : i32 to index
      %get3A_200 = arith.constant 96 : index
      %get3A_201 = tpu.vector_load %arg8[%get3A_199, %get3A_200] {strides = array<i32>} : memref<104x128xf32, #tpu.memory_space<vmem>>, vector<1x16xf32>,
      %get3A_202 = vector.shape_cast %get3A_201 : vector<1x16xf32> to vector<16xf32>
      %get3A_203 = arith.index_cast %scan3A_117 : i32 to index
      %get3A_204 = arith.constant 96 : index
      %get3A_205 = tpu.vector_load %arg11[%get3A_203, %get3A_204] {strides = array<i32>} : memref<104x128xf32, #tpu.memory_space<vmem>>, vector<1x16xf32>,
      %get3A_206 = vector.shape_cast %get3A_205 : vector<1x16xf32> to vector<16xf32>
      %sub3A_207 = arith.subf %get3A_202, %get3A_206 : vector<16xf32>
      %swap3A_208 = arith.index_cast %scan3A_117 : i32 to index
      %swap3A_209 = arith.constant 96 : index
      %swap3A_210 = tpu.vector_load %arg8[%swap3A_208, %swap3A_209] {strides = array<i32>} : memref<104x128xf32, #tpu.memory_space<vmem>>, vector<1x16xf32>,
      %swap3A_211 = vector.shape_cast %swap3A_210 : vector<1x16xf32> to vector<16xf32>
      %swap3A_212 = vector.shape_cast %sub3A_207 : vector<16xf32> to vector<1x16xf32>
      tpu.vector_store %arg8[%swap3A_208, %swap3A_209], %swap3A_212 {strides = array<i32>} : memref<104x128xf32, #tpu.memory_space<vmem>>, vector<1x16xf32>,
      %get3A_213 = arith.index_cast %scan3A_117 : i32 to index
      %get3A_214 = arith.constant 112 : index
      %get3A_215 = tpu.vector_load %arg8[%get3A_213, %get3A_214] {strides = array<i32>} : memref<104x128xf32, #tpu.memory_space<vmem>>, vector<1x16xf32>,
      %get3A_216 = vector.shape_cast %get3A_215 : vector<1x16xf32> to vector<16xf32>
      %get3A_217 = arith.index_cast %scan3A_117 : i32 to index
      %get3A_218 = arith.constant 112 : index
      %get3A_219 = tpu.vector_load %arg11[%get3A_217, %get3A_218] {strides = array<i32>} : memref<104x128xf32, #tpu.memory_space<vmem>>, vector<1x16xf32>,
      %get3A_220 = vector.shape_cast %get3A_219 : vector<1x16xf32> to vector<16xf32>
      %sub3A_221 = arith.subf %get3A_216, %get3A_220 : vector<16xf32>
      %swap3A_222 = arith.index_cast %scan3A_117 : i32 to index
      %swap3A_223 = arith.constant 112 : index
      %swap3A_224 = tpu.vector_load %arg8[%swap3A_222, %swap3A_223] {strides = array<i32>} : memref<104x128xf32, #tpu.memory_space<vmem>>, vector<1x16xf32>,
      %swap3A_225 = vector.shape_cast %swap3A_224 : vector<1x16xf32> to vector<16xf32>
      %swap3A_226 = vector.shape_cast %sub3A_221 : vector<16xf32> to vector<1x16xf32>
      tpu.vector_store %arg8[%swap3A_222, %swap3A_223], %swap3A_226 {strides = array<i32>} : memref<104x128xf32, #tpu.memory_space<vmem>>, vector<1x16xf32>,
    }
    %scan3A_74 = arith.constant 104 : i32
    %dma_start3A_75 = arith.constant 0 : i32
    %dma_start3A_76 = arith.constant 0 : i32
    %dma_start3A_77 = tpu.memref_slice %arg19[%dma_start3A_75, %dma_start3A_76] : memref<100x128xf32, #tpu.memory_space<vmem_shared>> -> memref<100x128xf32, #tpu.memory_space<vmem_shared>>
    tpu.enqueue_indirect_dma source(%arg8 : memref<104x128xf32, #tpu.memory_space<vmem>>) target(%dma_start3A_77 : memref<100x128xf32, #tpu.memory_space<vmem_shared>>) offsets(%arg14 : memref<104xi32, #tpu.memory_space<vmem>>) semaphore(%arg23 : memref<!tpu.dma_semaphore, #tpu.memory_space<semaphore_mem>>) {add = true}
    %dma_wait3A_78 = arith.constant 0 : i32
    %dma_wait3A_79 = tpu.memref_slice %arg2[%multiple_of3A_31, %dma_wait3A_78] : memref<10000x128xf32, #tpu.memory_space<hbm>> -> memref<104x128xf32, #tpu.memory_space<hbm>>
    %dma_wait3A_80 = arith.constant 0 : i32
    %dma_wait3A_81 = tpu.memref_slice %arg2[%multiple_of3A_31, %dma_wait3A_80] : memref<10000x128xf32, #tpu.memory_space<hbm>> -> memref<104x128xf32, #tpu.memory_space<hbm>>
    tpu.wait_dma2 semaphore(%arg22 : memref<!tpu.dma_semaphore, #tpu.memory_space<semaphore_mem>>) src(%dma_wait3A_81 : memref<104x128xf32, #tpu.memory_space<hbm>>) dst(%arg9 : memref<104x128xf32, #tpu.memory_space<vmem>>)
    %dma_wait3A_82 = arith.constant 0 : i32
    %dma_wait3A_83 = tpu.memref_slice %arg3[%multiple_of3A_31, %dma_wait3A_82] : memref<10000x128xf32, #tpu.memory_space<hbm>> -> memref<104x128xf32, #tpu.memory_space<hbm>>
    %dma_wait3A_84 = arith.constant 0 : i32
    %dma_wait3A_85 = tpu.memref_slice %arg3[%multiple_of3A_31, %dma_wait3A_84] : memref<10000x128xf32, #tpu.memory_space<hbm>> -> memref<104x128xf32, #tpu.memory_space<hbm>>
    tpu.wait_dma2 semaphore(%arg22 : memref<!tpu.dma_semaphore, #tpu.memory_space<semaphore_mem>>) src(%dma_wait3A_85 : memref<104x128xf32, #tpu.memory_space<hbm>>) dst(%arg12 : memref<104x128xf32, #tpu.memory_space<vmem>>)
    %dma_wait3A_86 = tpu.memref_slice %arg4[%multiple_of3A_31] : memref<10000xi32, #tpu.memory_space<hbm>> -> memref<104xi32, #tpu.memory_space<hbm>>
    %dma_wait3A_87 = tpu.memref_slice %arg4[%multiple_of3A_31] : memref<10000xi32, #tpu.memory_space<hbm>> -> memref<104xi32, #tpu.memory_space<hbm>>
    tpu.wait_dma2 semaphore(%arg22 : memref<!tpu.dma_semaphore, #tpu.memory_space<semaphore_mem>>) src(%dma_wait3A_87 : memref<104xi32, #tpu.memory_space<hbm>>) dst(%arg15 : memref<104xi32, #tpu.memory_space<vmem>>)
    %scan3A_88 = arith.constant 0 : i32
    %scan3A_89 = arith.constant 0 : i32
    %scan3A_90 = arith.constant 104 : i32
    %scan3A_91 = arith.addi %scan3A_89, %scan3A_90 : i32
    %scan3A_92 = arith.constant 1 : i32
    scf.for %scan3A_117 = %scan3A_89 to %scan3A_91 step %scan3A_92  : i32 {
      %get3A = arith.index_cast %scan3A_117 : i32 to index
      %get3A_118 = arith.constant 0 : index
      %get3A_119 = tpu.vector_load %arg9[%get3A, %get3A_118] {strides = array<i32>} : memref<104x128xf32, #tpu.memory_space<vmem>>, vector<1x16xf32>,
      %get3A_120 = vector.shape_cast %get3A_119 : vector<1x16xf32> to vector<16xf32>
      %get3A_121 = arith.index_cast %scan3A_117 : i32 to index
      %get3A_122 = arith.constant 0 : index
      %get3A_123 = tpu.vector_load %arg12[%get3A_121, %get3A_122] {strides = array<i32>} : memref<104x128xf32, #tpu.memory_space<vmem>>, vector<1x16xf32>,
      %get3A_124 = vector.shape_cast %get3A_123 : vector<1x16xf32> to vector<16xf32>
      %sub3A = arith.subf %get3A_120, %get3A_124 : vector<16xf32>
      %swap3A = arith.index_cast %scan3A_117 : i32 to index
      %swap3A_125 = arith.constant 0 : index
      %swap3A_126 = tpu.vector_load %arg9[%swap3A, %swap3A_125] {strides = array<i32>} : memref<104x128xf32, #tpu.memory_space<vmem>>, vector<1x16xf32>,
      %swap3A_127 = vector.shape_cast %swap3A_126 : vector<1x16xf32> to vector<16xf32>
      %swap3A_128 = vector.shape_cast %sub3A : vector<16xf32> to vector<1x16xf32>
      tpu.vector_store %arg9[%swap3A, %swap3A_125], %swap3A_128 {strides = array<i32>} : memref<104x128xf32, #tpu.memory_space<vmem>>, vector<1x16xf32>,
      %get3A_129 = arith.index_cast %scan3A_117 : i32 to index
      %get3A_130 = arith.constant 16 : index
      %get3A_131 = tpu.vector_load %arg9[%get3A_129, %get3A_130] {strides = array<i32>} : memref<104x128xf32, #tpu.memory_space<vmem>>, vector<1x16xf32>,
      %get3A_132 = vector.shape_cast %get3A_131 : vector<1x16xf32> to vector<16xf32>
      %get3A_133 = arith.index_cast %scan3A_117 : i32 to index
      %get3A_134 = arith.constant 16 : index
      %get3A_135 = tpu.vector_load %arg12[%get3A_133, %get3A_134] {strides = array<i32>} : memref<104x128xf32, #tpu.memory_space<vmem>>, vector<1x16xf32>,
      %get3A_136 = vector.shape_cast %get3A_135 : vector<1x16xf32> to vector<16xf32>
      %sub3A_137 = arith.subf %get3A_132, %get3A_136 : vector<16xf32>
      %swap3A_138 = arith.index_cast %scan3A_117 : i32 to index
      %swap3A_139 = arith.constant 16 : index
      %swap3A_140 = tpu.vector_load %arg9[%swap3A_138, %swap3A_139] {strides = array<i32>} : memref<104x128xf32, #tpu.memory_space<vmem>>, vector<1x16xf32>,
      %swap3A_141 = vector.shape_cast %swap3A_140 : vector<1x16xf32> to vector<16xf32>
      %swap3A_142 = vector.shape_cast %sub3A_137 : vector<16xf32> to vector<1x16xf32>
      tpu.vector_store %arg9[%swap3A_138, %swap3A_139], %swap3A_142 {strides = array<i32>} : memref<104x128xf32, #tpu.memory_space<vmem>>, vector<1x16xf32>,
      %get3A_143 = arith.index_cast %scan3A_117 : i32 to index
      %get3A_144 = arith.constant 32 : index
      %get3A_145 = tpu.vector_load %arg9[%get3A_143, %get3A_144] {strides = array<i32>} : memref<104x128xf32, #tpu.memory_space<vmem>>, vector<1x16xf32>,
      %get3A_146 = vector.shape_cast %get3A_145 : vector<1x16xf32> to vector<16xf32>
      %get3A_147 = arith.index_cast %scan3A_117 : i32 to index
      %get3A_148 = arith.constant 32 : index
      %get3A_149 = tpu.vector_load %arg12[%get3A_147, %get3A_148] {strides = array<i32>} : memref<104x128xf32, #tpu.memory_space<vmem>>, vector<1x16xf32>,
      %get3A_150 = vector.shape_cast %get3A_149 : vector<1x16xf32> to vector<16xf32>
      %sub3A_151 = arith.subf %get3A_146, %get3A_150 : vector<16xf32>
      %swap3A_152 = arith.index_cast %scan3A_117 : i32 to index
      %swap3A_153 = arith.constant 32 : index
      %swap3A_154 = tpu.vector_load %arg9[%swap3A_152, %swap3A_153] {strides = array<i32>} : memref<104x128xf32, #tpu.memory_space<vmem>>, vector<1x16xf32>,
      %swap3A_155 = vector.shape_cast %swap3A_154 : vector<1x16xf32> to vector<16xf32>
      %swap3A_156 = vector.shape_cast %sub3A_151 : vector<16xf32> to vector<1x16xf32>
      tpu.vector_store %arg9[%swap3A_152, %swap3A_153], %swap3A_156 {strides = array<i32>} : memref<104x128xf32, #tpu.memory_space<vmem>>, vector<1x16xf32>,
      %get3A_157 = arith.index_cast %scan3A_117 : i32 to index
      %get3A_158 = arith.constant 48 : index
      %get3A_159 = tpu.vector_load %arg9[%get3A_157, %get3A_158] {strides = array<i32>} : memref<104x128xf32, #tpu.memory_space<vmem>>, vector<1x16xf32>,
      %get3A_160 = vector.shape_cast %get3A_159 : vector<1x16xf32> to vector<16xf32>
      %get3A_161 = arith.index_cast %scan3A_117 : i32 to index
      %get3A_162 = arith.constant 48 : index
      %get3A_163 = tpu.vector_load %arg12[%get3A_161, %get3A_162] {strides = array<i32>} : memref<104x128xf32, #tpu.memory_space<vmem>>, vector<1x16xf32>,
      %get3A_164 = vector.shape_cast %get3A_163 : vector<1x16xf32> to vector<16xf32>
      %sub3A_165 = arith.subf %get3A_160, %get3A_164 : vector<16xf32>
      %swap3A_166 = arith.index_cast %scan3A_117 : i32 to index
      %swap3A_167 = arith.constant 48 : index
      %swap3A_168 = tpu.vector_load %arg9[%swap3A_166, %swap3A_167] {strides = array<i32>} : memref<104x128xf32, #tpu.memory_space<vmem>>, vector<1x16xf32>,
      %swap3A_169 = vector.shape_cast %swap3A_168 : vector<1x16xf32> to vector<16xf32>
      %swap3A_170 = vector.shape_cast %sub3A_165 : vector<16xf32> to vector<1x16xf32>
      tpu.vector_store %arg9[%swap3A_166, %swap3A_167], %swap3A_170 {strides = array<i32>} : memref<104x128xf32, #tpu.memory_space<vmem>>, vector<1x16xf32>,
      %get3A_171 = arith.index_cast %scan3A_117 : i32 to index
      %get3A_172 = arith.constant 64 : index
      %get3A_173 = tpu.vector_load %arg9[%get3A_171, %get3A_172] {strides = array<i32>} : memref<104x128xf32, #tpu.memory_space<vmem>>, vector<1x16xf32>,
      %get3A_174 = vector.shape_cast %get3A_173 : vector<1x16xf32> to vector<16xf32>
      %get3A_175 = arith.index_cast %scan3A_117 : i32 to index
      %get3A_176 = arith.constant 64 : index
      %get3A_177 = tpu.vector_load %arg12[%get3A_175, %get3A_176] {strides = array<i32>} : memref<104x128xf32, #tpu.memory_space<vmem>>, vector<1x16xf32>,
      %get3A_178 = vector.shape_cast %get3A_177 : vector<1x16xf32> to vector<16xf32>
      %sub3A_179 = arith.subf %get3A_174, %get3A_178 : vector<16xf32>
      %swap3A_180 = arith.index_cast %scan3A_117 : i32 to index
      %swap3A_181 = arith.constant 64 : index
      %swap3A_182 = tpu.vector_load %arg9[%swap3A_180, %swap3A_181] {strides = array<i32>} : memref<104x128xf32, #tpu.memory_space<vmem>>, vector<1x16xf32>,
      %swap3A_183 = vector.shape_cast %swap3A_182 : vector<1x16xf32> to vector<16xf32>
      %swap3A_184 = vector.shape_cast %sub3A_179 : vector<16xf32> to vector<1x16xf32>
      tpu.vector_store %arg9[%swap3A_180, %swap3A_181], %swap3A_184 {strides = array<i32>} : memref<104x128xf32, #tpu.memory_space<vmem>>, vector<1x16xf32>,
      %get3A_185 = arith.index_cast %scan3A_117 : i32 to index
      %get3A_186 = arith.constant 80 : index
      %get3A_187 = tpu.vector_load %arg9[%get3A_185, %get3A_186] {strides = array<i32>} : memref<104x128xf32, #tpu.memory_space<vmem>>, vector<1x16xf32>,
      %get3A_188 = vector.shape_cast %get3A_187 : vector<1x16xf32> to vector<16xf32>
      %get3A_189 = arith.index_cast %scan3A_117 : i32 to index
      %get3A_190 = arith.constant 80 : index
      %get3A_191 = tpu.vector_load %arg12[%get3A_189, %get3A_190] {strides = array<i32>} : memref<104x128xf32, #tpu.memory_space<vmem>>, vector<1x16xf32>,
      %get3A_192 = vector.shape_cast %get3A_191 : vector<1x16xf32> to vector<16xf32>
      %sub3A_193 = arith.subf %get3A_188, %get3A_192 : vector<16xf32>
      %swap3A_194 = arith.index_cast %scan3A_117 : i32 to index
      %swap3A_195 = arith.constant 80 : index
      %swap3A_196 = tpu.vector_load %arg9[%swap3A_194, %swap3A_195] {strides = array<i32>} : memref<104x128xf32, #tpu.memory_space<vmem>>, vector<1x16xf32>,
      %swap3A_197 = vector.shape_cast %swap3A_196 : vector<1x16xf32> to vector<16xf32>
      %swap3A_198 = vector.shape_cast %sub3A_193 : vector<16xf32> to vector<1x16xf32>
      tpu.vector_store %arg9[%swap3A_194, %swap3A_195], %swap3A_198 {strides = array<i32>} : memref<104x128xf32, #tpu.memory_space<vmem>>, vector<1x16xf32>,
      %get3A_199 = arith.index_cast %scan3A_117 : i32 to index
      %get3A_200 = arith.constant 96 : index
      %get3A_201 = tpu.vector_load %arg9[%get3A_199, %get3A_200] {strides = array<i32>} : memref<104x128xf32, #tpu.memory_space<vmem>>, vector<1x16xf32>,
      %get3A_202 = vector.shape_cast %get3A_201 : vector<1x16xf32> to vector<16xf32>
      %get3A_203 = arith.index_cast %scan3A_117 : i32 to index
      %get3A_204 = arith.constant 96 : index
      %get3A_205 = tpu.vector_load %arg12[%get3A_203, %get3A_204] {strides = array<i32>} : memref<104x128xf32, #tpu.memory_space<vmem>>, vector<1x16xf32>,
      %get3A_206 = vector.shape_cast %get3A_205 : vector<1x16xf32> to vector<16xf32>
      %sub3A_207 = arith.subf %get3A_202, %get3A_206 : vector<16xf32>
      %swap3A_208 = arith.index_cast %scan3A_117 : i32 to index
      %swap3A_209 = arith.constant 96 : index
      %swap3A_210 = tpu.vector_load %arg9[%swap3A_208, %swap3A_209] {strides = array<i32>} : memref<104x128xf32, #tpu.memory_space<vmem>>, vector<1x16xf32>,
      %swap3A_211 = vector.shape_cast %swap3A_210 : vector<1x16xf32> to vector<16xf32>
      %swap3A_212 = vector.shape_cast %sub3A_207 : vector<16xf32> to vector<1x16xf32>
      tpu.vector_store %arg9[%swap3A_208, %swap3A_209], %swap3A_212 {strides = array<i32>} : memref<104x128xf32, #tpu.memory_space<vmem>>, vector<1x16xf32>,
      %get3A_213 = arith.index_cast %scan3A_117 : i32 to index
      %get3A_214 = arith.constant 112 : index
      %get3A_215 = tpu.vector_load %arg9[%get3A_213, %get3A_214] {strides = array<i32>} : memref<104x128xf32, #tpu.memory_space<vmem>>, vector<1x16xf32>,
      %get3A_216 = vector.shape_cast %get3A_215 : vector<1x16xf32> to vector<16xf32>
      %get3A_217 = arith.index_cast %scan3A_117 : i32 to index
      %get3A_218 = arith.constant 112 : index
      %get3A_219 = tpu.vector_load %arg12[%get3A_217, %get3A_218] {strides = array<i32>} : memref<104x128xf32, #tpu.memory_space<vmem>>, vector<1x16xf32>,
      %get3A_220 = vector.shape_cast %get3A_219 : vector<1x16xf32> to vector<16xf32>
      %sub3A_221 = arith.subf %get3A_216, %get3A_220 : vector<16xf32>
      %swap3A_222 = arith.index_cast %scan3A_117 : i32 to index
      %swap3A_223 = arith.constant 112 : index
      %swap3A_224 = tpu.vector_load %arg9[%swap3A_222, %swap3A_223] {strides = array<i32>} : memref<104x128xf32, #tpu.memory_space<vmem>>, vector<1x16xf32>,
      %swap3A_225 = vector.shape_cast %swap3A_224 : vector<1x16xf32> to vector<16xf32>
      %swap3A_226 = vector.shape_cast %sub3A_221 : vector<16xf32> to vector<1x16xf32>
      tpu.vector_store %arg9[%swap3A_222, %swap3A_223], %swap3A_226 {strides = array<i32>} : memref<104x128xf32, #tpu.memory_space<vmem>>, vector<1x16xf32>,
    }
    %scan3A_93 = arith.constant 104 : i32
    %dma_start3A_94 = arith.constant 0 : i32
    %dma_start3A_95 = arith.constant 0 : i32
    %dma_start3A_96 = tpu.memref_slice %arg19[%dma_start3A_94, %dma_start3A_95] : memref<100x128xf32, #tpu.memory_space<vmem_shared>> -> memref<100x128xf32, #tpu.memory_space<vmem_shared>>
    tpu.enqueue_indirect_dma source(%arg9 : memref<104x128xf32, #tpu.memory_space<vmem>>) target(%dma_start3A_96 : memref<100x128xf32, #tpu.memory_space<vmem_shared>>) offsets(%arg15 : memref<104xi32, #tpu.memory_space<vmem>>) semaphore(%arg23 : memref<!tpu.dma_semaphore, #tpu.memory_space<semaphore_mem>>) {add = true}
    %dma_wait3A_97 = arith.constant 0 : i32
    %dma_wait3A_98 = arith.constant 0 : i32
    %dma_wait3A_99 = tpu.memref_slice %arg19[%dma_wait3A_97, %dma_wait3A_98] : memref<100x128xf32, #tpu.memory_space<vmem_shared>> -> memref<100x128xf32, #tpu.memory_space<vmem_shared>>
    tpu.wait_indirect_dma semaphore(%arg23 : memref<!tpu.dma_semaphore, #tpu.memory_space<semaphore_mem>>) src(%arg7 : memref<104x128xf32, #tpu.memory_space<vmem>>) dst(%dma_wait3A_99 : memref<100x128xf32, #tpu.memory_space<vmem_shared>>)
    %dma_wait3A_100 = arith.constant 0 : i32
    %dma_wait3A_101 = arith.constant 0 : i32
    %dma_wait3A_102 = tpu.memref_slice %arg19[%dma_wait3A_100, %dma_wait3A_101] : memref<100x128xf32, #tpu.memory_space<vmem_shared>> -> memref<100x128xf32, #tpu.memory_space<vmem_shared>>
    tpu.wait_indirect_dma semaphore(%arg23 : memref<!tpu.dma_semaphore, #tpu.memory_space<semaphore_mem>>) src(%arg8 : memref<104x128xf32, #tpu.memory_space<vmem>>) dst(%dma_wait3A_102 : memref<100x128xf32, #tpu.memory_space<vmem_shared>>)
    %dma_wait3A_103 = arith.constant 0 : i32
    %dma_wait3A_104 = arith.constant 0 : i32
    %dma_wait3A_105 = tpu.memref_slice %arg19[%dma_wait3A_103, %dma_wait3A_104] : memref<100x128xf32, #tpu.memory_space<vmem_shared>> -> memref<100x128xf32, #tpu.memory_space<vmem_shared>>
    tpu.wait_indirect_dma semaphore(%arg23 : memref<!tpu.dma_semaphore, #tpu.memory_space<semaphore_mem>>) src(%arg9 : memref<104x128xf32, #tpu.memory_space<vmem>>) dst(%dma_wait3A_105 : memref<100x128xf32, #tpu.memory_space<vmem_shared>>)
    %eq3A_106 = arith.constant 31 : i32
    %eq3A_107 = arith.cmpi eq, %add3A, %eq3A_106 : i32
    %convert_element_type3A_108 = arith.extui %eq3A_107 : i1 to i32
    %cond3A_109 = arith.constant 0 : i32
    %cond3A_110 = arith.cmpi ne, %convert_element_type3A_108, %cond3A_109 : i32
    scf.if %cond3A_110 {
      "tpu.region"() ({
        %run_scoped3A = tpu.sem_alloc : memref<!tpu.dma_semaphore, #tpu.memory_space<semaphore_mem>>
        %dma_start3A_123 = arith.constant 9984 : i32
        %dma_start3A_124 = arith.constant 0 : i32
        %dma_start3A_125 = tpu.memref_slice %arg2[%dma_start3A_123, %dma_start3A_124] : memref<10000x128xf32, #tpu.memory_space<hbm>> -> memref<16x128xf32, #tpu.memory_space<hbm>>
        %dma_start3A_126 = arith.constant 9984 : i32
        %dma_start3A_127 = arith.constant 0 : i32
        %dma_start3A_128 = tpu.memref_slice %arg2[%dma_start3A_126, %dma_start3A_127] : memref<10000x128xf32, #tpu.memory_space<hbm>> -> memref<16x128xf32, #tpu.memory_space<hbm>>
        tpu.enqueue_dma source(%dma_start3A_128 : memref<16x128xf32, #tpu.memory_space<hbm>>) target(%arg16 : memref<16x128xf32, #tpu.memory_space<vmem>>) target_semaphore(%run_scoped3A : memref<!tpu.dma_semaphore, #tpu.memory_space<semaphore_mem>>)
        %dma_wait3A_129 = arith.constant 9984 : i32
        %dma_wait3A_130 = arith.constant 0 : i32
        %dma_wait3A_131 = tpu.memref_slice %arg2[%dma_wait3A_129, %dma_wait3A_130] : memref<10000x128xf32, #tpu.memory_space<hbm>> -> memref<16x128xf32, #tpu.memory_space<hbm>>
        %dma_wait3A_132 = arith.constant 9984 : i32
        %dma_wait3A_133 = arith.constant 0 : i32
        %dma_wait3A_134 = tpu.memref_slice %arg2[%dma_wait3A_132, %dma_wait3A_133] : memref<10000x128xf32, #tpu.memory_space<hbm>> -> memref<16x128xf32, #tpu.memory_space<hbm>>
        tpu.wait_dma2 semaphore(%run_scoped3A : memref<!tpu.dma_semaphore, #tpu.memory_space<semaphore_mem>>) src(%dma_wait3A_134 : memref<16x128xf32, #tpu.memory_space<hbm>>) dst(%arg16 : memref<16x128xf32, #tpu.memory_space<vmem>>)
        tpu.yield
      }) : () -> ()
      "tpu.region"() ({
        %run_scoped3A = tpu.sem_alloc : memref<!tpu.dma_semaphore, #tpu.memory_space<semaphore_mem>>
        %dma_start3A_123 = arith.constant 9984 : i32
        %dma_start3A_124 = arith.constant 0 : i32
        %dma_start3A_125 = tpu.memref_slice %arg3[%dma_start3A_123, %dma_start3A_124] : memref<10000x128xf32, #tpu.memory_space<hbm>> -> memref<16x128xf32, #tpu.memory_space<hbm>>
        %dma_start3A_126 = arith.constant 9984 : i32
        %dma_start3A_127 = arith.constant 0 : i32
        %dma_start3A_128 = tpu.memref_slice %arg3[%dma_start3A_126, %dma_start3A_127] : memref<10000x128xf32, #tpu.memory_space<hbm>> -> memref<16x128xf32, #tpu.memory_space<hbm>>
        tpu.enqueue_dma source(%dma_start3A_128 : memref<16x128xf32, #tpu.memory_space<hbm>>) target(%arg17 : memref<16x128xf32, #tpu.memory_space<vmem>>) target_semaphore(%run_scoped3A : memref<!tpu.dma_semaphore, #tpu.memory_space<semaphore_mem>>)
        %dma_wait3A_129 = arith.constant 9984 : i32
        %dma_wait3A_130 = arith.constant 0 : i32
        %dma_wait3A_131 = tpu.memref_slice %arg3[%dma_wait3A_129, %dma_wait3A_130] : memref<10000x128xf32, #tpu.memory_space<hbm>> -> memref<16x128xf32, #tpu.memory_space<hbm>>
        %dma_wait3A_132 = arith.constant 9984 : i32
        %dma_wait3A_133 = arith.constant 0 : i32
        %dma_wait3A_134 = tpu.memref_slice %arg3[%dma_wait3A_132, %dma_wait3A_133] : memref<10000x128xf32, #tpu.memory_space<hbm>> -> memref<16x128xf32, #tpu.memory_space<hbm>>
        tpu.wait_dma2 semaphore(%run_scoped3A : memref<!tpu.dma_semaphore, #tpu.memory_space<semaphore_mem>>) src(%dma_wait3A_134 : memref<16x128xf32, #tpu.memory_space<hbm>>) dst(%arg17 : memref<16x128xf32, #tpu.memory_space<vmem>>)
        tpu.yield
      }) : () -> ()
      "tpu.region"() ({
        %run_scoped3A = tpu.sem_alloc : memref<!tpu.dma_semaphore, #tpu.memory_space<semaphore_mem>>
        %dma_start3A_123 = arith.constant 9984 : i32
        %dma_start3A_124 = tpu.memref_slice %arg4[%dma_start3A_123] : memref<10000xi32, #tpu.memory_space<hbm>> -> memref<16xi32, #tpu.memory_space<hbm>>
        %dma_start3A_125 = arith.constant 9984 : i32
        %dma_start3A_126 = tpu.memref_slice %arg4[%dma_start3A_125] : memref<10000xi32, #tpu.memory_space<hbm>> -> memref<16xi32, #tpu.memory_space<hbm>>
        tpu.enqueue_dma source(%dma_start3A_126 : memref<16xi32, #tpu.memory_space<hbm>>) target(%arg18 : memref<16xi32, #tpu.memory_space<vmem>>) target_semaphore(%run_scoped3A : memref<!tpu.dma_semaphore, #tpu.memory_space<semaphore_mem>>)
        %dma_wait3A_127 = arith.constant 9984 : i32
        %dma_wait3A_128 = tpu.memref_slice %arg4[%dma_wait3A_127] : memref<10000xi32, #tpu.memory_space<hbm>> -> memref<16xi32, #tpu.memory_space<hbm>>
        %dma_wait3A_129 = arith.constant 9984 : i32
        %dma_wait3A_130 = tpu.memref_slice %arg4[%dma_wait3A_129] : memref<10000xi32, #tpu.memory_space<hbm>> -> memref<16xi32, #tpu.memory_space<hbm>>
        tpu.wait_dma2 semaphore(%run_scoped3A : memref<!tpu.dma_semaphore, #tpu.memory_space<semaphore_mem>>) src(%dma_wait3A_130 : memref<16xi32, #tpu.memory_space<hbm>>) dst(%arg18 : memref<16xi32, #tpu.memory_space<vmem>>)
        tpu.yield
      }) : () -> ()
      %scan3A_117 = arith.constant 0 : i32
      %scan3A_118 = arith.constant 0 : i32
      %scan3A_119 = arith.constant 16 : i32
      %scan3A_120 = arith.addi %scan3A_118, %scan3A_119 : i32
      %scan3A_121 = arith.constant 1 : i32
      scf.for %scan3A_123 = %scan3A_118 to %scan3A_120 step %scan3A_121  : i32 {
        %get3A = arith.index_cast %scan3A_123 : i32 to index
        %get3A_124 = arith.constant 0 : index
        %get3A_125 = tpu.vector_load %arg16[%get3A, %get3A_124] {strides = array<i32>} : memref<16x128xf32, #tpu.memory_space<vmem>>, vector<1x16xf32>,
        %get3A_126 = vector.shape_cast %get3A_125 : vector<1x16xf32> to vector<16xf32>
        %get3A_127 = arith.index_cast %scan3A_123 : i32 to index
        %get3A_128 = arith.constant 0 : index
        %get3A_129 = tpu.vector_load %arg17[%get3A_127, %get3A_128] {strides = array<i32>} : memref<16x128xf32, #tpu.memory_space<vmem>>, vector<1x16xf32>,
        %get3A_130 = vector.shape_cast %get3A_129 : vector<1x16xf32> to vector<16xf32>
        %sub3A = arith.subf %get3A_126, %get3A_130 : vector<16xf32>
        %swap3A = arith.index_cast %scan3A_123 : i32 to index
        %swap3A_131 = arith.constant 0 : index
        %swap3A_132 = tpu.vector_load %arg16[%swap3A, %swap3A_131] {strides = array<i32>} : memref<16x128xf32, #tpu.memory_space<vmem>>, vector<1x16xf32>,
        %swap3A_133 = vector.shape_cast %swap3A_132 : vector<1x16xf32> to vector<16xf32>
        %swap3A_134 = vector.shape_cast %sub3A : vector<16xf32> to vector<1x16xf32>
        tpu.vector_store %arg16[%swap3A, %swap3A_131], %swap3A_134 {strides = array<i32>} : memref<16x128xf32, #tpu.memory_space<vmem>>, vector<1x16xf32>,
        %get3A_135 = arith.index_cast %scan3A_123 : i32 to index
        %get3A_136 = arith.constant 16 : index
        %get3A_137 = tpu.vector_load %arg16[%get3A_135, %get3A_136] {strides = array<i32>} : memref<16x128xf32, #tpu.memory_space<vmem>>, vector<1x16xf32>,
        %get3A_138 = vector.shape_cast %get3A_137 : vector<1x16xf32> to vector<16xf32>
        %get3A_139 = arith.index_cast %scan3A_123 : i32 to index
        %get3A_140 = arith.constant 16 : index
        %get3A_141 = tpu.vector_load %arg17[%get3A_139, %get3A_140] {strides = array<i32>} : memref<16x128xf32, #tpu.memory_space<vmem>>, vector<1x16xf32>,
        %get3A_142 = vector.shape_cast %get3A_141 : vector<1x16xf32> to vector<16xf32>
        %sub3A_143 = arith.subf %get3A_138, %get3A_142 : vector<16xf32>
        %swap3A_144 = arith.index_cast %scan3A_123 : i32 to index
        %swap3A_145 = arith.constant 16 : index
        %swap3A_146 = tpu.vector_load %arg16[%swap3A_144, %swap3A_145] {strides = array<i32>} : memref<16x128xf32, #tpu.memory_space<vmem>>, vector<1x16xf32>,
        %swap3A_147 = vector.shape_cast %swap3A_146 : vector<1x16xf32> to vector<16xf32>
        %swap3A_148 = vector.shape_cast %sub3A_143 : vector<16xf32> to vector<1x16xf32>
        tpu.vector_store %arg16[%swap3A_144, %swap3A_145], %swap3A_148 {strides = array<i32>} : memref<16x128xf32, #tpu.memory_space<vmem>>, vector<1x16xf32>,
        %get3A_149 = arith.index_cast %scan3A_123 : i32 to index
        %get3A_150 = arith.constant 32 : index
        %get3A_151 = tpu.vector_load %arg16[%get3A_149, %get3A_150] {strides = array<i32>} : memref<16x128xf32, #tpu.memory_space<vmem>>, vector<1x16xf32>,
        %get3A_152 = vector.shape_cast %get3A_151 : vector<1x16xf32> to vector<16xf32>
        %get3A_153 = arith.index_cast %scan3A_123 : i32 to index
        %get3A_154 = arith.constant 32 : index
        %get3A_155 = tpu.vector_load %arg17[%get3A_153, %get3A_154] {strides = array<i32>} : memref<16x128xf32, #tpu.memory_space<vmem>>, vector<1x16xf32>,
        %get3A_156 = vector.shape_cast %get3A_155 : vector<1x16xf32> to vector<16xf32>
        %sub3A_157 = arith.subf %get3A_152, %get3A_156 : vector<16xf32>
        %swap3A_158 = arith.index_cast %scan3A_123 : i32 to index
        %swap3A_159 = arith.constant 32 : index
        %swap3A_160 = tpu.vector_load %arg16[%swap3A_158, %swap3A_159] {strides = array<i32>} : memref<16x128xf32, #tpu.memory_space<vmem>>, vector<1x16xf32>,
        %swap3A_161 = vector.shape_cast %swap3A_160 : vector<1x16xf32> to vector<16xf32>
        %swap3A_162 = vector.shape_cast %sub3A_157 : vector<16xf32> to vector<1x16xf32>
        tpu.vector_store %arg16[%swap3A_158, %swap3A_159], %swap3A_162 {strides = array<i32>} : memref<16x128xf32, #tpu.memory_space<vmem>>, vector<1x16xf32>,
        %get3A_163 = arith.index_cast %scan3A_123 : i32 to index
        %get3A_164 = arith.constant 48 : index
        %get3A_165 = tpu.vector_load %arg16[%get3A_163, %get3A_164] {strides = array<i32>} : memref<16x128xf32, #tpu.memory_space<vmem>>, vector<1x16xf32>,
        %get3A_166 = vector.shape_cast %get3A_165 : vector<1x16xf32> to vector<16xf32>
        %get3A_167 = arith.index_cast %scan3A_123 : i32 to index
        %get3A_168 = arith.constant 48 : index
        %get3A_169 = tpu.vector_load %arg17[%get3A_167, %get3A_168] {strides = array<i32>} : memref<16x128xf32, #tpu.memory_space<vmem>>, vector<1x16xf32>,
        %get3A_170 = vector.shape_cast %get3A_169 : vector<1x16xf32> to vector<16xf32>
        %sub3A_171 = arith.subf %get3A_166, %get3A_170 : vector<16xf32>
        %swap3A_172 = arith.index_cast %scan3A_123 : i32 to index
        %swap3A_173 = arith.constant 48 : index
        %swap3A_174 = tpu.vector_load %arg16[%swap3A_172, %swap3A_173] {strides = array<i32>} : memref<16x128xf32, #tpu.memory_space<vmem>>, vector<1x16xf32>,
        %swap3A_175 = vector.shape_cast %swap3A_174 : vector<1x16xf32> to vector<16xf32>
        %swap3A_176 = vector.shape_cast %sub3A_171 : vector<16xf32> to vector<1x16xf32>
        tpu.vector_store %arg16[%swap3A_172, %swap3A_173], %swap3A_176 {strides = array<i32>} : memref<16x128xf32, #tpu.memory_space<vmem>>, vector<1x16xf32>,
        %get3A_177 = arith.index_cast %scan3A_123 : i32 to index
        %get3A_178 = arith.constant 64 : index
        %get3A_179 = tpu.vector_load %arg16[%get3A_177, %get3A_178] {strides = array<i32>} : memref<16x128xf32, #tpu.memory_space<vmem>>, vector<1x16xf32>,
        %get3A_180 = vector.shape_cast %get3A_179 : vector<1x16xf32> to vector<16xf32>
        %get3A_181 = arith.index_cast %scan3A_123 : i32 to index
        %get3A_182 = arith.constant 64 : index
        %get3A_183 = tpu.vector_load %arg17[%get3A_181, %get3A_182] {strides = array<i32>} : memref<16x128xf32, #tpu.memory_space<vmem>>, vector<1x16xf32>,
        %get3A_184 = vector.shape_cast %get3A_183 : vector<1x16xf32> to vector<16xf32>
        %sub3A_185 = arith.subf %get3A_180, %get3A_184 : vector<16xf32>
        %swap3A_186 = arith.index_cast %scan3A_123 : i32 to index
        %swap3A_187 = arith.constant 64 : index
        %swap3A_188 = tpu.vector_load %arg16[%swap3A_186, %swap3A_187] {strides = array<i32>} : memref<16x128xf32, #tpu.memory_space<vmem>>, vector<1x16xf32>,
        %swap3A_189 = vector.shape_cast %swap3A_188 : vector<1x16xf32> to vector<16xf32>
        %swap3A_190 = vector.shape_cast %sub3A_185 : vector<16xf32> to vector<1x16xf32>
        tpu.vector_store %arg16[%swap3A_186, %swap3A_187], %swap3A_190 {strides = array<i32>} : memref<16x128xf32, #tpu.memory_space<vmem>>, vector<1x16xf32>,
        %get3A_191 = arith.index_cast %scan3A_123 : i32 to index
        %get3A_192 = arith.constant 80 : index
        %get3A_193 = tpu.vector_load %arg16[%get3A_191, %get3A_192] {strides = array<i32>} : memref<16x128xf32, #tpu.memory_space<vmem>>, vector<1x16xf32>,
        %get3A_194 = vector.shape_cast %get3A_193 : vector<1x16xf32> to vector<16xf32>
        %get3A_195 = arith.index_cast %scan3A_123 : i32 to index
        %get3A_196 = arith.constant 80 : index
        %get3A_197 = tpu.vector_load %arg17[%get3A_195, %get3A_196] {strides = array<i32>} : memref<16x128xf32, #tpu.memory_space<vmem>>, vector<1x16xf32>,
        %get3A_198 = vector.shape_cast %get3A_197 : vector<1x16xf32> to vector<16xf32>
        %sub3A_199 = arith.subf %get3A_194, %get3A_198 : vector<16xf32>
        %swap3A_200 = arith.index_cast %scan3A_123 : i32 to index
        %swap3A_201 = arith.constant 80 : index
        %swap3A_202 = tpu.vector_load %arg16[%swap3A_200, %swap3A_201] {strides = array<i32>} : memref<16x128xf32, #tpu.memory_space<vmem>>, vector<1x16xf32>,
        %swap3A_203 = vector.shape_cast %swap3A_202 : vector<1x16xf32> to vector<16xf32>
        %swap3A_204 = vector.shape_cast %sub3A_199 : vector<16xf32> to vector<1x16xf32>
        tpu.vector_store %arg16[%swap3A_200, %swap3A_201], %swap3A_204 {strides = array<i32>} : memref<16x128xf32, #tpu.memory_space<vmem>>, vector<1x16xf32>,
        %get3A_205 = arith.index_cast %scan3A_123 : i32 to index
        %get3A_206 = arith.constant 96 : index
        %get3A_207 = tpu.vector_load %arg16[%get3A_205, %get3A_206] {strides = array<i32>} : memref<16x128xf32, #tpu.memory_space<vmem>>, vector<1x16xf32>,
        %get3A_208 = vector.shape_cast %get3A_207 : vector<1x16xf32> to vector<16xf32>
        %get3A_209 = arith.index_cast %scan3A_123 : i32 to index
        %get3A_210 = arith.constant 96 : index
        %get3A_211 = tpu.vector_load %arg17[%get3A_209, %get3A_210] {strides = array<i32>} : memref<16x128xf32, #tpu.memory_space<vmem>>, vector<1x16xf32>,
        %get3A_212 = vector.shape_cast %get3A_211 : vector<1x16xf32> to vector<16xf32>
        %sub3A_213 = arith.subf %get3A_208, %get3A_212 : vector<16xf32>
        %swap3A_214 = arith.index_cast %scan3A_123 : i32 to index
        %swap3A_215 = arith.constant 96 : index
        %swap3A_216 = tpu.vector_load %arg16[%swap3A_214, %swap3A_215] {strides = array<i32>} : memref<16x128xf32, #tpu.memory_space<vmem>>, vector<1x16xf32>,
        %swap3A_217 = vector.shape_cast %swap3A_216 : vector<1x16xf32> to vector<16xf32>
        %swap3A_218 = vector.shape_cast %sub3A_213 : vector<16xf32> to vector<1x16xf32>
        tpu.vector_store %arg16[%swap3A_214, %swap3A_215], %swap3A_218 {strides = array<i32>} : memref<16x128xf32, #tpu.memory_space<vmem>>, vector<1x16xf32>,
        %get3A_219 = arith.index_cast %scan3A_123 : i32 to index
        %get3A_220 = arith.constant 112 : index
        %get3A_221 = tpu.vector_load %arg16[%get3A_219, %get3A_220] {strides = array<i32>} : memref<16x128xf32, #tpu.memory_space<vmem>>, vector<1x16xf32>,
        %get3A_222 = vector.shape_cast %get3A_221 : vector<1x16xf32> to vector<16xf32>
        %get3A_223 = arith.index_cast %scan3A_123 : i32 to index
        %get3A_224 = arith.constant 112 : index
        %get3A_225 = tpu.vector_load %arg17[%get3A_223, %get3A_224] {strides = array<i32>} : memref<16x128xf32, #tpu.memory_space<vmem>>, vector<1x16xf32>,
        %get3A_226 = vector.shape_cast %get3A_225 : vector<1x16xf32> to vector<16xf32>
        %sub3A_227 = arith.subf %get3A_222, %get3A_226 : vector<16xf32>
        %swap3A_228 = arith.index_cast %scan3A_123 : i32 to index
        %swap3A_229 = arith.constant 112 : index
        %swap3A_230 = tpu.vector_load %arg16[%swap3A_228, %swap3A_229] {strides = array<i32>} : memref<16x128xf32, #tpu.memory_space<vmem>>, vector<1x16xf32>,
        %swap3A_231 = vector.shape_cast %swap3A_230 : vector<1x16xf32> to vector<16xf32>
        %swap3A_232 = vector.shape_cast %sub3A_227 : vector<16xf32> to vector<1x16xf32>
        tpu.vector_store %arg16[%swap3A_228, %swap3A_229], %swap3A_232 {strides = array<i32>} : memref<16x128xf32, #tpu.memory_space<vmem>>, vector<1x16xf32>,
      }
      %scan3A_122 = arith.constant 16 : i32
      "tpu.region"() ({
        %run_scoped3A = tpu.sem_alloc : memref<!tpu.dma_semaphore, #tpu.memory_space<semaphore_mem>>
        %dma_start3A_123 = arith.constant 0 : i32
        %dma_start3A_124 = arith.constant 0 : i32
        %dma_start3A_125 = tpu.memref_slice %arg19[%dma_start3A_123, %dma_start3A_124] : memref<100x128xf32, #tpu.memory_space<vmem_shared>> -> memref<100x128xf32, #tpu.memory_space<vmem_shared>>
        tpu.enqueue_indirect_dma source(%arg16 : memref<16x128xf32, #tpu.memory_space<vmem>>) target(%dma_start3A_125 : memref<100x128xf32, #tpu.memory_space<vmem_shared>>) offsets(%arg18 : memref<16xi32, #tpu.memory_space<vmem>>) semaphore(%run_scoped3A : memref<!tpu.dma_semaphore, #tpu.memory_space<semaphore_mem>>) {add = true}
        %dma_wait3A_126 = arith.constant 0 : i32
        %dma_wait3A_127 = arith.constant 0 : i32
        %dma_wait3A_128 = tpu.memref_slice %arg19[%dma_wait3A_126, %dma_wait3A_127] : memref<100x128xf32, #tpu.memory_space<vmem_shared>> -> memref<100x128xf32, #tpu.memory_space<vmem_shared>>
        tpu.wait_indirect_dma semaphore(%run_scoped3A : memref<!tpu.dma_semaphore, #tpu.memory_space<semaphore_mem>>) src(%arg16 : memref<16x128xf32, #tpu.memory_space<vmem>>) dst(%dma_wait3A_128 : memref<100x128xf32, #tpu.memory_space<vmem_shared>>)
        tpu.yield
      }) : () -> ()
    } else {
    }
    %barrier3A_111 = arith.constant 0 : index
    tpu.barrier barrier_id(%barrier3A_111)
    %eq3A_112 = arith.constant 0 : i32
    %eq3A_113 = arith.cmpi eq, %arg1, %eq3A_112 : i32
    %convert_element_type3A_114 = arith.extui %eq3A_113 : i1 to i32
    %cond3A_115 = arith.constant 0 : i32
    %cond3A_116 = arith.cmpi ne, %convert_element_type3A_114, %cond3A_115 : i32
    scf.if %cond3A_116 {
      "tpu.region"() ({
        %run_scoped3A = tpu.sem_alloc : memref<!tpu.dma_semaphore, #tpu.memory_space<semaphore_mem>>
        %dma_start3A_117 = arith.constant 0 : i32
        %dma_start3A_118 = arith.constant 0 : i32
        %dma_start3A_119 = tpu.memref_slice %arg6[%arg0, %dma_start3A_117, %dma_start3A_118] : memref<2x100x128xf32, #tpu.memory_space<hbm>> -> memref<1x100x128xf32, #tpu.memory_space<hbm>>
        %dma_start3A_120 = tpu.memref_squeeze %dma_start3A_119 : memref<1x100x128xf32, #tpu.memory_space<hbm>> -> memref<100x128xf32, #tpu.memory_space<hbm>>
        tpu.enqueue_dma source(%arg19 : memref<100x128xf32, #tpu.memory_space<vmem_shared>>) target(%dma_start3A_120 : memref<100x128xf32, #tpu.memory_space<hbm>>) target_semaphore(%run_scoped3A : memref<!tpu.dma_semaphore, #tpu.memory_space<semaphore_mem>>)
        %dma_wait3A_121 = arith.constant 0 : i32
        %dma_wait3A_122 = arith.constant 0 : i32
        %dma_wait3A_123 = tpu.memref_slice %arg6[%arg0, %dma_wait3A_121, %dma_wait3A_122] : memref<2x100x128xf32, #tpu.memory_space<hbm>> -> memref<1x100x128xf32, #tpu.memory_space<hbm>>
        %dma_wait3A_124 = tpu.memref_squeeze %dma_wait3A_123 : memref<1x100x128xf32, #tpu.memory_space<hbm>> -> memref<100x128xf32, #tpu.memory_space<hbm>>
        tpu.wait_dma2 semaphore(%run_scoped3A : memref<!tpu.dma_semaphore, #tpu.memory_space<semaphore_mem>>) src(%arg19 : memref<100x128xf32, #tpu.memory_space<vmem_shared>>) dst(%dma_wait3A_124 : memref<100x128xf32, #tpu.memory_space<hbm>>)
        tpu.yield
      }) : () -> ()
    } else {
    }
    return
  }
}

module attributes {stable_mosaic.version = 14 : i64} {
  func.func @body(%arg0: memref<100x32xf32, #tpu.memory_space<vmem>>, %arg1: memref<100x32xf32, #tpu.memory_space<vmem>>, %arg2: memref<2x100x128xf32, #tpu.memory_space<vmem>>, %arg3: memref<100x128xf32, #tpu.memory_space<vmem>>, %arg4: memref<100x176xf32, #tpu.memory_space<vmem>>) attributes {dimension_semantics = [], scalar_prefetch = 0 : i64, scratch_operands = 0 : i64, tpu.core_type = #tpu.core_type<tc>} {
    %get3A = arith.constant 0 : index
    %get3A_0 = arith.constant 0 : index
    %get3A_1 = arith.constant 0 : index
    %get3A_2 = vector.load %arg2[%get3A, %get3A_0, %get3A_1] : memref<2x100x128xf32, #tpu.memory_space<vmem>>, vector<1x100x128xf32>
    %get3A_3 = vector.shape_cast %get3A_2 : vector<1x100x128xf32> to vector<100x128xf32>
    %get3A_4 = arith.constant 1 : index
    %get3A_5 = arith.constant 0 : index
    %get3A_6 = arith.constant 0 : index
    %get3A_7 = vector.load %arg2[%get3A_4, %get3A_5, %get3A_6] : memref<2x100x128xf32, #tpu.memory_space<vmem>>, vector<1x100x128xf32>
    %get3A_8 = vector.shape_cast %get3A_7 : vector<1x100x128xf32> to vector<100x128xf32>
    %add3A = arith.addf %get3A_3, %get3A_8 : vector<100x128xf32>
    %get3A_9 = arith.constant 0 : index
    %get3A_10 = arith.constant 0 : index
    %get3A_11 = vector.load %arg0[%get3A_9, %get3A_10] : memref<100x32xf32, #tpu.memory_space<vmem>>, vector<100x32xf32>
    %get3A_12 = arith.constant 0 : index
    %get3A_13 = arith.constant 0 : index
    %get3A_14 = vector.load %arg1[%get3A_12, %get3A_13] : memref<100x32xf32, #tpu.memory_space<vmem>>, vector<100x32xf32>
    %sub3A = arith.subf %get3A_11, %get3A_14 : vector<100x32xf32>
    %get3A_15 = arith.constant 0 : index
    %get3A_16 = arith.constant 0 : index
    %get3A_17 = vector.load %arg3[%get3A_15, %get3A_16] : memref<100x128xf32, #tpu.memory_space<vmem>>, vector<100x128xf32>
    %div3A = arith.divf %add3A, %get3A_17 : vector<100x128xf32>
    %broadcast_in_dim3A = arith.constant 0.000000e+00 : f32
    %broadcast_in_dim3A_18 = vector.broadcast %broadcast_in_dim3A : f32 to vector<100x16xf32>
    %concatenate3A = tpu.concatenate %sub3A, %div3A, %broadcast_in_dim3A_18 in 1 : vector<100x32xf32>, vector<100x128xf32>, vector<100x16xf32> -> vector<100x176xf32>
    %swap3A = arith.constant 0 : index
    %swap3A_19 = arith.constant 0 : index
    %swap3A_20 = vector.load %arg4[%swap3A, %swap3A_19] : memref<100x176xf32, #tpu.memory_space<vmem>>, vector<100x176xf32>
    tpu.vector_store %arg4[%swap3A, %swap3A_19], %concatenate3A {strides = array<i32>} : memref<100x176xf32, #tpu.memory_space<vmem>>, vector<100x176xf32>,
    return
  }
}

module attributes {stable_mosaic.version = 14 : i64} {
  func.func @body(%arg0: memref<79x128xi32, #tpu.memory_space<vmem>>, %arg1: memref<100x128xf32, #tpu.memory_space<vmem>>) attributes {dimension_semantics = [], scalar_prefetch = 0 : i64, scratch_operands = 0 : i64, tpu.core_type = #tpu.core_type<tc>} {
    %iota3A = tpu.iota {dimensions = array<i32: 0>} : vector<100x1xi32>
    %broadcast_in_dim3A = arith.constant 0.000000e+00 : f32
    %broadcast_in_dim3A_0 = vector.broadcast %broadcast_in_dim3A : f32 to vector<100x128xf32>
    %get3A = arith.constant 0 : index
    %get3A_1 = arith.constant 0 : index
    %get3A_2 = vector.load %arg0[%get3A, %get3A_1] : memref<79x128xi32, #tpu.memory_space<vmem>>, vector<1x128xi32>
    %get3A_3 = vector.shape_cast %get3A_2 : vector<1x128xi32> to vector<128xi32>
    %reshape3A = vector.shape_cast %get3A_3 : vector<128xi32> to vector<1x128xi32>
    %eq3A = vector.broadcast %reshape3A : vector<1x128xi32> to vector<100x128xi32>
    %eq3A_4 = vector.broadcast %iota3A : vector<100x1xi32> to vector<100x128xi32>
    %eq3A_5 = arith.cmpi eq, %eq3A, %eq3A_4 : vector<100x128xi32>
    %convert_element_type3A = arith.extui %eq3A_5 : vector<100x128xi1> to vector<100x128xi32>
    %convert_element_type3A_6 = arith.sitofp %convert_element_type3A : vector<100x128xi32> to vector<100x128xf32>
    %add3A = arith.addf %broadcast_in_dim3A_0, %convert_element_type3A_6 : vector<100x128xf32>
    %get3A_7 = arith.constant 1 : index
    %get3A_8 = arith.constant 0 : index
    %get3A_9 = vector.load %arg0[%get3A_7, %get3A_8] : memref<79x128xi32, #tpu.memory_space<vmem>>, vector<1x128xi32>
    %get3A_10 = vector.shape_cast %get3A_9 : vector<1x128xi32> to vector<128xi32>
    %reshape3A_11 = vector.shape_cast %get3A_10 : vector<128xi32> to vector<1x128xi32>
    %eq3A_12 = vector.broadcast %reshape3A_11 : vector<1x128xi32> to vector<100x128xi32>
    %eq3A_13 = vector.broadcast %iota3A : vector<100x1xi32> to vector<100x128xi32>
    %eq3A_14 = arith.cmpi eq, %eq3A_12, %eq3A_13 : vector<100x128xi32>
    %convert_element_type3A_15 = arith.extui %eq3A_14 : vector<100x128xi1> to vector<100x128xi32>
    %convert_element_type3A_16 = arith.sitofp %convert_element_type3A_15 : vector<100x128xi32> to vector<100x128xf32>
    %add3A_17 = arith.addf %add3A, %convert_element_type3A_16 : vector<100x128xf32>
    %get3A_18 = arith.constant 2 : index
    %get3A_19 = arith.constant 0 : index
    %get3A_20 = vector.load %arg0[%get3A_18, %get3A_19] : memref<79x128xi32, #tpu.memory_space<vmem>>, vector<1x128xi32>
    %get3A_21 = vector.shape_cast %get3A_20 : vector<1x128xi32> to vector<128xi32>
    %reshape3A_22 = vector.shape_cast %get3A_21 : vector<128xi32> to vector<1x128xi32>
    %eq3A_23 = vector.broadcast %reshape3A_22 : vector<1x128xi32> to vector<100x128xi32>
    %eq3A_24 = vector.broadcast %iota3A : vector<100x1xi32> to vector<100x128xi32>
    %eq3A_25 = arith.cmpi eq, %eq3A_23, %eq3A_24 : vector<100x128xi32>
    %convert_element_type3A_26 = arith.extui %eq3A_25 : vector<100x128xi1> to vector<100x128xi32>
    %convert_element_type3A_27 = arith.sitofp %convert_element_type3A_26 : vector<100x128xi32> to vector<100x128xf32>
    %add3A_28 = arith.addf %add3A_17, %convert_element_type3A_27 : vector<100x128xf32>
    %get3A_29 = arith.constant 3 : index
    %get3A_30 = arith.constant 0 : index
    %get3A_31 = vector.load %arg0[%get3A_29, %get3A_30] : memref<79x128xi32, #tpu.memory_space<vmem>>, vector<1x128xi32>
    %get3A_32 = vector.shape_cast %get3A_31 : vector<1x128xi32> to vector<128xi32>
    %reshape3A_33 = vector.shape_cast %get3A_32 : vector<128xi32> to vector<1x128xi32>
    %eq3A_34 = vector.broadcast %reshape3A_33 : vector<1x128xi32> to vector<100x128xi32>
    %eq3A_35 = vector.broadcast %iota3A : vector<100x1xi32> to vector<100x128xi32>
    %eq3A_36 = arith.cmpi eq, %eq3A_34, %eq3A_35 : vector<100x128xi32>
    %convert_element_type3A_37 = arith.extui %eq3A_36 : vector<100x128xi1> to vector<100x128xi32>
    %convert_element_type3A_38 = arith.sitofp %convert_element_type3A_37 : vector<100x128xi32> to vector<100x128xf32>
    %add3A_39 = arith.addf %add3A_28, %convert_element_type3A_38 : vector<100x128xf32>
    %get3A_40 = arith.constant 4 : index
    %get3A_41 = arith.constant 0 : index
    %get3A_42 = vector.load %arg0[%get3A_40, %get3A_41] : memref<79x128xi32, #tpu.memory_space<vmem>>, vector<1x128xi32>
    %get3A_43 = vector.shape_cast %get3A_42 : vector<1x128xi32> to vector<128xi32>
    %reshape3A_44 = vector.shape_cast %get3A_43 : vector<128xi32> to vector<1x128xi32>
    %eq3A_45 = vector.broadcast %reshape3A_44 : vector<1x128xi32> to vector<100x128xi32>
    %eq3A_46 = vector.broadcast %iota3A : vector<100x1xi32> to vector<100x128xi32>
    %eq3A_47 = arith.cmpi eq, %eq3A_45, %eq3A_46 : vector<100x128xi32>
    %convert_element_type3A_48 = arith.extui %eq3A_47 : vector<100x128xi1> to vector<100x128xi32>
    %convert_element_type3A_49 = arith.sitofp %convert_element_type3A_48 : vector<100x128xi32> to vector<100x128xf32>
    %add3A_50 = arith.addf %add3A_39, %convert_element_type3A_49 : vector<100x128xf32>
    %get3A_51 = arith.constant 5 : index
    %get3A_52 = arith.constant 0 : index
    %get3A_53 = vector.load %arg0[%get3A_51, %get3A_52] : memref<79x128xi32, #tpu.memory_space<vmem>>, vector<1x128xi32>
    %get3A_54 = vector.shape_cast %get3A_53 : vector<1x128xi32> to vector<128xi32>
    %reshape3A_55 = vector.shape_cast %get3A_54 : vector<128xi32> to vector<1x128xi32>
    %eq3A_56 = vector.broadcast %reshape3A_55 : vector<1x128xi32> to vector<100x128xi32>
    %eq3A_57 = vector.broadcast %iota3A : vector<100x1xi32> to vector<100x128xi32>
    %eq3A_58 = arith.cmpi eq, %eq3A_56, %eq3A_57 : vector<100x128xi32>
    %convert_element_type3A_59 = arith.extui %eq3A_58 : vector<100x128xi1> to vector<100x128xi32>
    %convert_element_type3A_60 = arith.sitofp %convert_element_type3A_59 : vector<100x128xi32> to vector<100x128xf32>
    %add3A_61 = arith.addf %add3A_50, %convert_element_type3A_60 : vector<100x128xf32>
    %get3A_62 = arith.constant 6 : index
    %get3A_63 = arith.constant 0 : index
    %get3A_64 = vector.load %arg0[%get3A_62, %get3A_63] : memref<79x128xi32, #tpu.memory_space<vmem>>, vector<1x128xi32>
    %get3A_65 = vector.shape_cast %get3A_64 : vector<1x128xi32> to vector<128xi32>
    %reshape3A_66 = vector.shape_cast %get3A_65 : vector<128xi32> to vector<1x128xi32>
    %eq3A_67 = vector.broadcast %reshape3A_66 : vector<1x128xi32> to vector<100x128xi32>
    %eq3A_68 = vector.broadcast %iota3A : vector<100x1xi32> to vector<100x128xi32>
    %eq3A_69 = arith.cmpi eq, %eq3A_67, %eq3A_68 : vector<100x128xi32>
    %convert_element_type3A_70 = arith.extui %eq3A_69 : vector<100x128xi1> to vector<100x128xi32>
    %convert_element_type3A_71 = arith.sitofp %convert_element_type3A_70 : vector<100x128xi32> to vector<100x128xf32>
    %add3A_72 = arith.addf %add3A_61, %convert_element_type3A_71 : vector<100x128xf32>
    %get3A_73 = arith.constant 7 : index
    %get3A_74 = arith.constant 0 : index
    %get3A_75 = vector.load %arg0[%get3A_73, %get3A_74] : memref<79x128xi32, #tpu.memory_space<vmem>>, vector<1x128xi32>
    %get3A_76 = vector.shape_cast %get3A_75 : vector<1x128xi32> to vector<128xi32>
    %reshape3A_77 = vector.shape_cast %get3A_76 : vector<128xi32> to vector<1x128xi32>
    %eq3A_78 = vector.broadcast %reshape3A_77 : vector<1x128xi32> to vector<100x128xi32>
    %eq3A_79 = vector.broadcast %iota3A : vector<100x1xi32> to vector<100x128xi32>
    %eq3A_80 = arith.cmpi eq, %eq3A_78, %eq3A_79 : vector<100x128xi32>
    %convert_element_type3A_81 = arith.extui %eq3A_80 : vector<100x128xi1> to vector<100x128xi32>
    %convert_element_type3A_82 = arith.sitofp %convert_element_type3A_81 : vector<100x128xi32> to vector<100x128xf32>
    %add3A_83 = arith.addf %add3A_72, %convert_element_type3A_82 : vector<100x128xf32>
    %get3A_84 = arith.constant 8 : index
    %get3A_85 = arith.constant 0 : index
    %get3A_86 = vector.load %arg0[%get3A_84, %get3A_85] : memref<79x128xi32, #tpu.memory_space<vmem>>, vector<1x128xi32>
    %get3A_87 = vector.shape_cast %get3A_86 : vector<1x128xi32> to vector<128xi32>
    %reshape3A_88 = vector.shape_cast %get3A_87 : vector<128xi32> to vector<1x128xi32>
    %eq3A_89 = vector.broadcast %reshape3A_88 : vector<1x128xi32> to vector<100x128xi32>
    %eq3A_90 = vector.broadcast %iota3A : vector<100x1xi32> to vector<100x128xi32>
    %eq3A_91 = arith.cmpi eq, %eq3A_89, %eq3A_90 : vector<100x128xi32>
    %convert_element_type3A_92 = arith.extui %eq3A_91 : vector<100x128xi1> to vector<100x128xi32>
    %convert_element_type3A_93 = arith.sitofp %convert_element_type3A_92 : vector<100x128xi32> to vector<100x128xf32>
    %add3A_94 = arith.addf %add3A_83, %convert_element_type3A_93 : vector<100x128xf32>
    %get3A_95 = arith.constant 9 : index
    %get3A_96 = arith.constant 0 : index
    %get3A_97 = vector.load %arg0[%get3A_95, %get3A_96] : memref<79x128xi32, #tpu.memory_space<vmem>>, vector<1x128xi32>
    %get3A_98 = vector.shape_cast %get3A_97 : vector<1x128xi32> to vector<128xi32>
    %reshape3A_99 = vector.shape_cast %get3A_98 : vector<128xi32> to vector<1x128xi32>
    %eq3A_100 = vector.broadcast %reshape3A_99 : vector<1x128xi32> to vector<100x128xi32>
    %eq3A_101 = vector.broadcast %iota3A : vector<100x1xi32> to vector<100x128xi32>
    %eq3A_102 = arith.cmpi eq, %eq3A_100, %eq3A_101 : vector<100x128xi32>
    %convert_element_type3A_103 = arith.extui %eq3A_102 : vector<100x128xi1> to vector<100x128xi32>
    %convert_element_type3A_104 = arith.sitofp %convert_element_type3A_103 : vector<100x128xi32> to vector<100x128xf32>
    %add3A_105 = arith.addf %add3A_94, %convert_element_type3A_104 : vector<100x128xf32>
    %get3A_106 = arith.constant 10 : index
    %get3A_107 = arith.constant 0 : index
    %get3A_108 = vector.load %arg0[%get3A_106, %get3A_107] : memref<79x128xi32, #tpu.memory_space<vmem>>, vector<1x128xi32>
    %get3A_109 = vector.shape_cast %get3A_108 : vector<1x128xi32> to vector<128xi32>
    %reshape3A_110 = vector.shape_cast %get3A_109 : vector<128xi32> to vector<1x128xi32>
    %eq3A_111 = vector.broadcast %reshape3A_110 : vector<1x128xi32> to vector<100x128xi32>
    %eq3A_112 = vector.broadcast %iota3A : vector<100x1xi32> to vector<100x128xi32>
    %eq3A_113 = arith.cmpi eq, %eq3A_111, %eq3A_112 : vector<100x128xi32>
    %convert_element_type3A_114 = arith.extui %eq3A_113 : vector<100x128xi1> to vector<100x128xi32>
    %convert_element_type3A_115 = arith.sitofp %convert_element_type3A_114 : vector<100x128xi32> to vector<100x128xf32>
    %add3A_116 = arith.addf %add3A_105, %convert_element_type3A_115 : vector<100x128xf32>
    %get3A_117 = arith.constant 11 : index
    %get3A_118 = arith.constant 0 : index
    %get3A_119 = vector.load %arg0[%get3A_117, %get3A_118] : memref<79x128xi32, #tpu.memory_space<vmem>>, vector<1x128xi32>
    %get3A_120 = vector.shape_cast %get3A_119 : vector<1x128xi32> to vector<128xi32>
    %reshape3A_121 = vector.shape_cast %get3A_120 : vector<128xi32> to vector<1x128xi32>
    %eq3A_122 = vector.broadcast %reshape3A_121 : vector<1x128xi32> to vector<100x128xi32>
    %eq3A_123 = vector.broadcast %iota3A : vector<100x1xi32> to vector<100x128xi32>
    %eq3A_124 = arith.cmpi eq, %eq3A_122, %eq3A_123 : vector<100x128xi32>
    %convert_element_type3A_125 = arith.extui %eq3A_124 : vector<100x128xi1> to vector<100x128xi32>
    %convert_element_type3A_126 = arith.sitofp %convert_element_type3A_125 : vector<100x128xi32> to vector<100x128xf32>
    %add3A_127 = arith.addf %add3A_116, %convert_element_type3A_126 : vector<100x128xf32>
    %get3A_128 = arith.constant 12 : index
    %get3A_129 = arith.constant 0 : index
    %get3A_130 = vector.load %arg0[%get3A_128, %get3A_129] : memref<79x128xi32, #tpu.memory_space<vmem>>, vector<1x128xi32>
    %get3A_131 = vector.shape_cast %get3A_130 : vector<1x128xi32> to vector<128xi32>
    %reshape3A_132 = vector.shape_cast %get3A_131 : vector<128xi32> to vector<1x128xi32>
    %eq3A_133 = vector.broadcast %reshape3A_132 : vector<1x128xi32> to vector<100x128xi32>
    %eq3A_134 = vector.broadcast %iota3A : vector<100x1xi32> to vector<100x128xi32>
    %eq3A_135 = arith.cmpi eq, %eq3A_133, %eq3A_134 : vector<100x128xi32>
    %convert_element_type3A_136 = arith.extui %eq3A_135 : vector<100x128xi1> to vector<100x128xi32>
    %convert_element_type3A_137 = arith.sitofp %convert_element_type3A_136 : vector<100x128xi32> to vector<100x128xf32>
    %add3A_138 = arith.addf %add3A_127, %convert_element_type3A_137 : vector<100x128xf32>
    %get3A_139 = arith.constant 13 : index
    %get3A_140 = arith.constant 0 : index
    %get3A_141 = vector.load %arg0[%get3A_139, %get3A_140] : memref<79x128xi32, #tpu.memory_space<vmem>>, vector<1x128xi32>
    %get3A_142 = vector.shape_cast %get3A_141 : vector<1x128xi32> to vector<128xi32>
    %reshape3A_143 = vector.shape_cast %get3A_142 : vector<128xi32> to vector<1x128xi32>
    %eq3A_144 = vector.broadcast %reshape3A_143 : vector<1x128xi32> to vector<100x128xi32>
    %eq3A_145 = vector.broadcast %iota3A : vector<100x1xi32> to vector<100x128xi32>
    %eq3A_146 = arith.cmpi eq, %eq3A_144, %eq3A_145 : vector<100x128xi32>
    %convert_element_type3A_147 = arith.extui %eq3A_146 : vector<100x128xi1> to vector<100x128xi32>
    %convert_element_type3A_148 = arith.sitofp %convert_element_type3A_147 : vector<100x128xi32> to vector<100x128xf32>
    %add3A_149 = arith.addf %add3A_138, %convert_element_type3A_148 : vector<100x128xf32>
    %get3A_150 = arith.constant 14 : index
    %get3A_151 = arith.constant 0 : index
    %get3A_152 = vector.load %arg0[%get3A_150, %get3A_151] : memref<79x128xi32, #tpu.memory_space<vmem>>, vector<1x128xi32>
    %get3A_153 = vector.shape_cast %get3A_152 : vector<1x128xi32> to vector<128xi32>
    %reshape3A_154 = vector.shape_cast %get3A_153 : vector<128xi32> to vector<1x128xi32>
    %eq3A_155 = vector.broadcast %reshape3A_154 : vector<1x128xi32> to vector<100x128xi32>
    %eq3A_156 = vector.broadcast %iota3A : vector<100x1xi32> to vector<100x128xi32>
    %eq3A_157 = arith.cmpi eq, %eq3A_155, %eq3A_156 : vector<100x128xi32>
    %convert_element_type3A_158 = arith.extui %eq3A_157 : vector<100x128xi1> to vector<100x128xi32>
    %convert_element_type3A_159 = arith.sitofp %convert_element_type3A_158 : vector<100x128xi32> to vector<100x128xf32>
    %add3A_160 = arith.addf %add3A_149, %convert_element_type3A_159 : vector<100x128xf32>
    %get3A_161 = arith.constant 15 : index
    %get3A_162 = arith.constant 0 : index
    %get3A_163 = vector.load %arg0[%get3A_161, %get3A_162] : memref<79x128xi32, #tpu.memory_space<vmem>>, vector<1x128xi32>
    %get3A_164 = vector.shape_cast %get3A_163 : vector<1x128xi32> to vector<128xi32>
    %reshape3A_165 = vector.shape_cast %get3A_164 : vector<128xi32> to vector<1x128xi32>
    %eq3A_166 = vector.broadcast %reshape3A_165 : vector<1x128xi32> to vector<100x128xi32>
    %eq3A_167 = vector.broadcast %iota3A : vector<100x1xi32> to vector<100x128xi32>
    %eq3A_168 = arith.cmpi eq, %eq3A_166, %eq3A_167 : vector<100x128xi32>
    %convert_element_type3A_169 = arith.extui %eq3A_168 : vector<100x128xi1> to vector<100x128xi32>
    %convert_element_type3A_170 = arith.sitofp %convert_element_type3A_169 : vector<100x128xi32> to vector<100x128xf32>
    %add3A_171 = arith.addf %add3A_160, %convert_element_type3A_170 : vector<100x128xf32>
    %get3A_172 = arith.constant 16 : index
    %get3A_173 = arith.constant 0 : index
    %get3A_174 = vector.load %arg0[%get3A_172, %get3A_173] : memref<79x128xi32, #tpu.memory_space<vmem>>, vector<1x128xi32>
    %get3A_175 = vector.shape_cast %get3A_174 : vector<1x128xi32> to vector<128xi32>
    %reshape3A_176 = vector.shape_cast %get3A_175 : vector<128xi32> to vector<1x128xi32>
    %eq3A_177 = vector.broadcast %reshape3A_176 : vector<1x128xi32> to vector<100x128xi32>
    %eq3A_178 = vector.broadcast %iota3A : vector<100x1xi32> to vector<100x128xi32>
    %eq3A_179 = arith.cmpi eq, %eq3A_177, %eq3A_178 : vector<100x128xi32>
    %convert_element_type3A_180 = arith.extui %eq3A_179 : vector<100x128xi1> to vector<100x128xi32>
    %convert_element_type3A_181 = arith.sitofp %convert_element_type3A_180 : vector<100x128xi32> to vector<100x128xf32>
    %add3A_182 = arith.addf %add3A_171, %convert_element_type3A_181 : vector<100x128xf32>
    %get3A_183 = arith.constant 17 : index
    %get3A_184 = arith.constant 0 : index
    %get3A_185 = vector.load %arg0[%get3A_183, %get3A_184] : memref<79x128xi32, #tpu.memory_space<vmem>>, vector<1x128xi32>
    %get3A_186 = vector.shape_cast %get3A_185 : vector<1x128xi32> to vector<128xi32>
    %reshape3A_187 = vector.shape_cast %get3A_186 : vector<128xi32> to vector<1x128xi32>
    %eq3A_188 = vector.broadcast %reshape3A_187 : vector<1x128xi32> to vector<100x128xi32>
    %eq3A_189 = vector.broadcast %iota3A : vector<100x1xi32> to vector<100x128xi32>
    %eq3A_190 = arith.cmpi eq, %eq3A_188, %eq3A_189 : vector<100x128xi32>
    %convert_element_type3A_191 = arith.extui %eq3A_190 : vector<100x128xi1> to vector<100x128xi32>
    %convert_element_type3A_192 = arith.sitofp %convert_element_type3A_191 : vector<100x128xi32> to vector<100x128xf32>
    %add3A_193 = arith.addf %add3A_182, %convert_element_type3A_192 : vector<100x128xf32>
    %get3A_194 = arith.constant 18 : index
    %get3A_195 = arith.constant 0 : index
    %get3A_196 = vector.load %arg0[%get3A_194, %get3A_195] : memref<79x128xi32, #tpu.memory_space<vmem>>, vector<1x128xi32>
    %get3A_197 = vector.shape_cast %get3A_196 : vector<1x128xi32> to vector<128xi32>
    %reshape3A_198 = vector.shape_cast %get3A_197 : vector<128xi32> to vector<1x128xi32>
    %eq3A_199 = vector.broadcast %reshape3A_198 : vector<1x128xi32> to vector<100x128xi32>
    %eq3A_200 = vector.broadcast %iota3A : vector<100x1xi32> to vector<100x128xi32>
    %eq3A_201 = arith.cmpi eq, %eq3A_199, %eq3A_200 : vector<100x128xi32>
    %convert_element_type3A_202 = arith.extui %eq3A_201 : vector<100x128xi1> to vector<100x128xi32>
    %convert_element_type3A_203 = arith.sitofp %convert_element_type3A_202 : vector<100x128xi32> to vector<100x128xf32>
    %add3A_204 = arith.addf %add3A_193, %convert_element_type3A_203 : vector<100x128xf32>
    %get3A_205 = arith.constant 19 : index
    %get3A_206 = arith.constant 0 : index
    %get3A_207 = vector.load %arg0[%get3A_205, %get3A_206] : memref<79x128xi32, #tpu.memory_space<vmem>>, vector<1x128xi32>
    %get3A_208 = vector.shape_cast %get3A_207 : vector<1x128xi32> to vector<128xi32>
    %reshape3A_209 = vector.shape_cast %get3A_208 : vector<128xi32> to vector<1x128xi32>
    %eq3A_210 = vector.broadcast %reshape3A_209 : vector<1x128xi32> to vector<100x128xi32>
    %eq3A_211 = vector.broadcast %iota3A : vector<100x1xi32> to vector<100x128xi32>
    %eq3A_212 = arith.cmpi eq, %eq3A_210, %eq3A_211 : vector<100x128xi32>
    %convert_element_type3A_213 = arith.extui %eq3A_212 : vector<100x128xi1> to vector<100x128xi32>
    %convert_element_type3A_214 = arith.sitofp %convert_element_type3A_213 : vector<100x128xi32> to vector<100x128xf32>
    %add3A_215 = arith.addf %add3A_204, %convert_element_type3A_214 : vector<100x128xf32>
    %get3A_216 = arith.constant 20 : index
    %get3A_217 = arith.constant 0 : index
    %get3A_218 = vector.load %arg0[%get3A_216, %get3A_217] : memref<79x128xi32, #tpu.memory_space<vmem>>, vector<1x128xi32>
    %get3A_219 = vector.shape_cast %get3A_218 : vector<1x128xi32> to vector<128xi32>
    %reshape3A_220 = vector.shape_cast %get3A_219 : vector<128xi32> to vector<1x128xi32>
    %eq3A_221 = vector.broadcast %reshape3A_220 : vector<1x128xi32> to vector<100x128xi32>
    %eq3A_222 = vector.broadcast %iota3A : vector<100x1xi32> to vector<100x128xi32>
    %eq3A_223 = arith.cmpi eq, %eq3A_221, %eq3A_222 : vector<100x128xi32>
    %convert_element_type3A_224 = arith.extui %eq3A_223 : vector<100x128xi1> to vector<100x128xi32>
    %convert_element_type3A_225 = arith.sitofp %convert_element_type3A_224 : vector<100x128xi32> to vector<100x128xf32>
    %add3A_226 = arith.addf %add3A_215, %convert_element_type3A_225 : vector<100x128xf32>
    %get3A_227 = arith.constant 21 : index
    %get3A_228 = arith.constant 0 : index
    %get3A_229 = vector.load %arg0[%get3A_227, %get3A_228] : memref<79x128xi32, #tpu.memory_space<vmem>>, vector<1x128xi32>
    %get3A_230 = vector.shape_cast %get3A_229 : vector<1x128xi32> to vector<128xi32>
    %reshape3A_231 = vector.shape_cast %get3A_230 : vector<128xi32> to vector<1x128xi32>
    %eq3A_232 = vector.broadcast %reshape3A_231 : vector<1x128xi32> to vector<100x128xi32>
    %eq3A_233 = vector.broadcast %iota3A : vector<100x1xi32> to vector<100x128xi32>
    %eq3A_234 = arith.cmpi eq, %eq3A_232, %eq3A_233 : vector<100x128xi32>
    %convert_element_type3A_235 = arith.extui %eq3A_234 : vector<100x128xi1> to vector<100x128xi32>
    %convert_element_type3A_236 = arith.sitofp %convert_element_type3A_235 : vector<100x128xi32> to vector<100x128xf32>
    %add3A_237 = arith.addf %add3A_226, %convert_element_type3A_236 : vector<100x128xf32>
    %get3A_238 = arith.constant 22 : index
    %get3A_239 = arith.constant 0 : index
    %get3A_240 = vector.load %arg0[%get3A_238, %get3A_239] : memref<79x128xi32, #tpu.memory_space<vmem>>, vector<1x128xi32>
    %get3A_241 = vector.shape_cast %get3A_240 : vector<1x128xi32> to vector<128xi32>
    %reshape3A_242 = vector.shape_cast %get3A_241 : vector<128xi32> to vector<1x128xi32>
    %eq3A_243 = vector.broadcast %reshape3A_242 : vector<1x128xi32> to vector<100x128xi32>
    %eq3A_244 = vector.broadcast %iota3A : vector<100x1xi32> to vector<100x128xi32>
    %eq3A_245 = arith.cmpi eq, %eq3A_243, %eq3A_244 : vector<100x128xi32>
    %convert_element_type3A_246 = arith.extui %eq3A_245 : vector<100x128xi1> to vector<100x128xi32>
    %convert_element_type3A_247 = arith.sitofp %convert_element_type3A_246 : vector<100x128xi32> to vector<100x128xf32>
    %add3A_248 = arith.addf %add3A_237, %convert_element_type3A_247 : vector<100x128xf32>
    %get3A_249 = arith.constant 23 : index
    %get3A_250 = arith.constant 0 : index
    %get3A_251 = vector.load %arg0[%get3A_249, %get3A_250] : memref<79x128xi32, #tpu.memory_space<vmem>>, vector<1x128xi32>
    %get3A_252 = vector.shape_cast %get3A_251 : vector<1x128xi32> to vector<128xi32>
    %reshape3A_253 = vector.shape_cast %get3A_252 : vector<128xi32> to vector<1x128xi32>
    %eq3A_254 = vector.broadcast %reshape3A_253 : vector<1x128xi32> to vector<100x128xi32>
    %eq3A_255 = vector.broadcast %iota3A : vector<100x1xi32> to vector<100x128xi32>
    %eq3A_256 = arith.cmpi eq, %eq3A_254, %eq3A_255 : vector<100x128xi32>
    %convert_element_type3A_257 = arith.extui %eq3A_256 : vector<100x128xi1> to vector<100x128xi32>
    %convert_element_type3A_258 = arith.sitofp %convert_element_type3A_257 : vector<100x128xi32> to vector<100x128xf32>
    %add3A_259 = arith.addf %add3A_248, %convert_element_type3A_258 : vector<100x128xf32>
    %get3A_260 = arith.constant 24 : index
    %get3A_261 = arith.constant 0 : index
    %get3A_262 = vector.load %arg0[%get3A_260, %get3A_261] : memref<79x128xi32, #tpu.memory_space<vmem>>, vector<1x128xi32>
    %get3A_263 = vector.shape_cast %get3A_262 : vector<1x128xi32> to vector<128xi32>
    %reshape3A_264 = vector.shape_cast %get3A_263 : vector<128xi32> to vector<1x128xi32>
    %eq3A_265 = vector.broadcast %reshape3A_264 : vector<1x128xi32> to vector<100x128xi32>
    %eq3A_266 = vector.broadcast %iota3A : vector<100x1xi32> to vector<100x128xi32>
    %eq3A_267 = arith.cmpi eq, %eq3A_265, %eq3A_266 : vector<100x128xi32>
    %convert_element_type3A_268 = arith.extui %eq3A_267 : vector<100x128xi1> to vector<100x128xi32>
    %convert_element_type3A_269 = arith.sitofp %convert_element_type3A_268 : vector<100x128xi32> to vector<100x128xf32>
    %add3A_270 = arith.addf %add3A_259, %convert_element_type3A_269 : vector<100x128xf32>
    %get3A_271 = arith.constant 25 : index
    %get3A_272 = arith.constant 0 : index
    %get3A_273 = vector.load %arg0[%get3A_271, %get3A_272] : memref<79x128xi32, #tpu.memory_space<vmem>>, vector<1x128xi32>
    %get3A_274 = vector.shape_cast %get3A_273 : vector<1x128xi32> to vector<128xi32>
    %reshape3A_275 = vector.shape_cast %get3A_274 : vector<128xi32> to vector<1x128xi32>
    %eq3A_276 = vector.broadcast %reshape3A_275 : vector<1x128xi32> to vector<100x128xi32>
    %eq3A_277 = vector.broadcast %iota3A : vector<100x1xi32> to vector<100x128xi32>
    %eq3A_278 = arith.cmpi eq, %eq3A_276, %eq3A_277 : vector<100x128xi32>
    %convert_element_type3A_279 = arith.extui %eq3A_278 : vector<100x128xi1> to vector<100x128xi32>
    %convert_element_type3A_280 = arith.sitofp %convert_element_type3A_279 : vector<100x128xi32> to vector<100x128xf32>
    %add3A_281 = arith.addf %add3A_270, %convert_element_type3A_280 : vector<100x128xf32>
    %get3A_282 = arith.constant 26 : index
    %get3A_283 = arith.constant 0 : index
    %get3A_284 = vector.load %arg0[%get3A_282, %get3A_283] : memref<79x128xi32, #tpu.memory_space<vmem>>, vector<1x128xi32>
    %get3A_285 = vector.shape_cast %get3A_284 : vector<1x128xi32> to vector<128xi32>
    %reshape3A_286 = vector.shape_cast %get3A_285 : vector<128xi32> to vector<1x128xi32>
    %eq3A_287 = vector.broadcast %reshape3A_286 : vector<1x128xi32> to vector<100x128xi32>
    %eq3A_288 = vector.broadcast %iota3A : vector<100x1xi32> to vector<100x128xi32>
    %eq3A_289 = arith.cmpi eq, %eq3A_287, %eq3A_288 : vector<100x128xi32>
    %convert_element_type3A_290 = arith.extui %eq3A_289 : vector<100x128xi1> to vector<100x128xi32>
    %convert_element_type3A_291 = arith.sitofp %convert_element_type3A_290 : vector<100x128xi32> to vector<100x128xf32>
    %add3A_292 = arith.addf %add3A_281, %convert_element_type3A_291 : vector<100x128xf32>
    %get3A_293 = arith.constant 27 : index
    %get3A_294 = arith.constant 0 : index
    %get3A_295 = vector.load %arg0[%get3A_293, %get3A_294] : memref<79x128xi32, #tpu.memory_space<vmem>>, vector<1x128xi32>
    %get3A_296 = vector.shape_cast %get3A_295 : vector<1x128xi32> to vector<128xi32>
    %reshape3A_297 = vector.shape_cast %get3A_296 : vector<128xi32> to vector<1x128xi32>
    %eq3A_298 = vector.broadcast %reshape3A_297 : vector<1x128xi32> to vector<100x128xi32>
    %eq3A_299 = vector.broadcast %iota3A : vector<100x1xi32> to vector<100x128xi32>
    %eq3A_300 = arith.cmpi eq, %eq3A_298, %eq3A_299 : vector<100x128xi32>
    %convert_element_type3A_301 = arith.extui %eq3A_300 : vector<100x128xi1> to vector<100x128xi32>
    %convert_element_type3A_302 = arith.sitofp %convert_element_type3A_301 : vector<100x128xi32> to vector<100x128xf32>
    %add3A_303 = arith.addf %add3A_292, %convert_element_type3A_302 : vector<100x128xf32>
    %get3A_304 = arith.constant 28 : index
    %get3A_305 = arith.constant 0 : index
    %get3A_306 = vector.load %arg0[%get3A_304, %get3A_305] : memref<79x128xi32, #tpu.memory_space<vmem>>, vector<1x128xi32>
    %get3A_307 = vector.shape_cast %get3A_306 : vector<1x128xi32> to vector<128xi32>
    %reshape3A_308 = vector.shape_cast %get3A_307 : vector<128xi32> to vector<1x128xi32>
    %eq3A_309 = vector.broadcast %reshape3A_308 : vector<1x128xi32> to vector<100x128xi32>
    %eq3A_310 = vector.broadcast %iota3A : vector<100x1xi32> to vector<100x128xi32>
    %eq3A_311 = arith.cmpi eq, %eq3A_309, %eq3A_310 : vector<100x128xi32>
    %convert_element_type3A_312 = arith.extui %eq3A_311 : vector<100x128xi1> to vector<100x128xi32>
    %convert_element_type3A_313 = arith.sitofp %convert_element_type3A_312 : vector<100x128xi32> to vector<100x128xf32>
    %add3A_314 = arith.addf %add3A_303, %convert_element_type3A_313 : vector<100x128xf32>
    %get3A_315 = arith.constant 29 : index
    %get3A_316 = arith.constant 0 : index
    %get3A_317 = vector.load %arg0[%get3A_315, %get3A_316] : memref<79x128xi32, #tpu.memory_space<vmem>>, vector<1x128xi32>
    %get3A_318 = vector.shape_cast %get3A_317 : vector<1x128xi32> to vector<128xi32>
    %reshape3A_319 = vector.shape_cast %get3A_318 : vector<128xi32> to vector<1x128xi32>
    %eq3A_320 = vector.broadcast %reshape3A_319 : vector<1x128xi32> to vector<100x128xi32>
    %eq3A_321 = vector.broadcast %iota3A : vector<100x1xi32> to vector<100x128xi32>
    %eq3A_322 = arith.cmpi eq, %eq3A_320, %eq3A_321 : vector<100x128xi32>
    %convert_element_type3A_323 = arith.extui %eq3A_322 : vector<100x128xi1> to vector<100x128xi32>
    %convert_element_type3A_324 = arith.sitofp %convert_element_type3A_323 : vector<100x128xi32> to vector<100x128xf32>
    %add3A_325 = arith.addf %add3A_314, %convert_element_type3A_324 : vector<100x128xf32>
    %get3A_326 = arith.constant 30 : index
    %get3A_327 = arith.constant 0 : index
    %get3A_328 = vector.load %arg0[%get3A_326, %get3A_327] : memref<79x128xi32, #tpu.memory_space<vmem>>, vector<1x128xi32>
    %get3A_329 = vector.shape_cast %get3A_328 : vector<1x128xi32> to vector<128xi32>
    %reshape3A_330 = vector.shape_cast %get3A_329 : vector<128xi32> to vector<1x128xi32>
    %eq3A_331 = vector.broadcast %reshape3A_330 : vector<1x128xi32> to vector<100x128xi32>
    %eq3A_332 = vector.broadcast %iota3A : vector<100x1xi32> to vector<100x128xi32>
    %eq3A_333 = arith.cmpi eq, %eq3A_331, %eq3A_332 : vector<100x128xi32>
    %convert_element_type3A_334 = arith.extui %eq3A_333 : vector<100x128xi1> to vector<100x128xi32>
    %convert_element_type3A_335 = arith.sitofp %convert_element_type3A_334 : vector<100x128xi32> to vector<100x128xf32>
    %add3A_336 = arith.addf %add3A_325, %convert_element_type3A_335 : vector<100x128xf32>
    %get3A_337 = arith.constant 31 : index
    %get3A_338 = arith.constant 0 : index
    %get3A_339 = vector.load %arg0[%get3A_337, %get3A_338] : memref<79x128xi32, #tpu.memory_space<vmem>>, vector<1x128xi32>
    %get3A_340 = vector.shape_cast %get3A_339 : vector<1x128xi32> to vector<128xi32>
    %reshape3A_341 = vector.shape_cast %get3A_340 : vector<128xi32> to vector<1x128xi32>
    %eq3A_342 = vector.broadcast %reshape3A_341 : vector<1x128xi32> to vector<100x128xi32>
    %eq3A_343 = vector.broadcast %iota3A : vector<100x1xi32> to vector<100x128xi32>
    %eq3A_344 = arith.cmpi eq, %eq3A_342, %eq3A_343 : vector<100x128xi32>
    %convert_element_type3A_345 = arith.extui %eq3A_344 : vector<100x128xi1> to vector<100x128xi32>
    %convert_element_type3A_346 = arith.sitofp %convert_element_type3A_345 : vector<100x128xi32> to vector<100x128xf32>
    %add3A_347 = arith.addf %add3A_336, %convert_element_type3A_346 : vector<100x128xf32>
    %get3A_348 = arith.constant 32 : index
    %get3A_349 = arith.constant 0 : index
    %get3A_350 = vector.load %arg0[%get3A_348, %get3A_349] : memref<79x128xi32, #tpu.memory_space<vmem>>, vector<1x128xi32>
    %get3A_351 = vector.shape_cast %get3A_350 : vector<1x128xi32> to vector<128xi32>
    %reshape3A_352 = vector.shape_cast %get3A_351 : vector<128xi32> to vector<1x128xi32>
    %eq3A_353 = vector.broadcast %reshape3A_352 : vector<1x128xi32> to vector<100x128xi32>
    %eq3A_354 = vector.broadcast %iota3A : vector<100x1xi32> to vector<100x128xi32>
    %eq3A_355 = arith.cmpi eq, %eq3A_353, %eq3A_354 : vector<100x128xi32>
    %convert_element_type3A_356 = arith.extui %eq3A_355 : vector<100x128xi1> to vector<100x128xi32>
    %convert_element_type3A_357 = arith.sitofp %convert_element_type3A_356 : vector<100x128xi32> to vector<100x128xf32>
    %add3A_358 = arith.addf %add3A_347, %convert_element_type3A_357 : vector<100x128xf32>
    %get3A_359 = arith.constant 33 : index
    %get3A_360 = arith.constant 0 : index
    %get3A_361 = vector.load %arg0[%get3A_359, %get3A_360] : memref<79x128xi32, #tpu.memory_space<vmem>>, vector<1x128xi32>
    %get3A_362 = vector.shape_cast %get3A_361 : vector<1x128xi32> to vector<128xi32>
    %reshape3A_363 = vector.shape_cast %get3A_362 : vector<128xi32> to vector<1x128xi32>
    %eq3A_364 = vector.broadcast %reshape3A_363 : vector<1x128xi32> to vector<100x128xi32>
    %eq3A_365 = vector.broadcast %iota3A : vector<100x1xi32> to vector<100x128xi32>
    %eq3A_366 = arith.cmpi eq, %eq3A_364, %eq3A_365 : vector<100x128xi32>
    %convert_element_type3A_367 = arith.extui %eq3A_366 : vector<100x128xi1> to vector<100x128xi32>
    %convert_element_type3A_368 = arith.sitofp %convert_element_type3A_367 : vector<100x128xi32> to vector<100x128xf32>
    %add3A_369 = arith.addf %add3A_358, %convert_element_type3A_368 : vector<100x128xf32>
    %get3A_370 = arith.constant 34 : index
    %get3A_371 = arith.constant 0 : index
    %get3A_372 = vector.load %arg0[%get3A_370, %get3A_371] : memref<79x128xi32, #tpu.memory_space<vmem>>, vector<1x128xi32>
    %get3A_373 = vector.shape_cast %get3A_372 : vector<1x128xi32> to vector<128xi32>
    %reshape3A_374 = vector.shape_cast %get3A_373 : vector<128xi32> to vector<1x128xi32>
    %eq3A_375 = vector.broadcast %reshape3A_374 : vector<1x128xi32> to vector<100x128xi32>
    %eq3A_376 = vector.broadcast %iota3A : vector<100x1xi32> to vector<100x128xi32>
    %eq3A_377 = arith.cmpi eq, %eq3A_375, %eq3A_376 : vector<100x128xi32>
    %convert_element_type3A_378 = arith.extui %eq3A_377 : vector<100x128xi1> to vector<100x128xi32>
    %convert_element_type3A_379 = arith.sitofp %convert_element_type3A_378 : vector<100x128xi32> to vector<100x128xf32>
    %add3A_380 = arith.addf %add3A_369, %convert_element_type3A_379 : vector<100x128xf32>
    %get3A_381 = arith.constant 35 : index
    %get3A_382 = arith.constant 0 : index
    %get3A_383 = vector.load %arg0[%get3A_381, %get3A_382] : memref<79x128xi32, #tpu.memory_space<vmem>>, vector<1x128xi32>
    %get3A_384 = vector.shape_cast %get3A_383 : vector<1x128xi32> to vector<128xi32>
    %reshape3A_385 = vector.shape_cast %get3A_384 : vector<128xi32> to vector<1x128xi32>
    %eq3A_386 = vector.broadcast %reshape3A_385 : vector<1x128xi32> to vector<100x128xi32>
    %eq3A_387 = vector.broadcast %iota3A : vector<100x1xi32> to vector<100x128xi32>
    %eq3A_388 = arith.cmpi eq, %eq3A_386, %eq3A_387 : vector<100x128xi32>
    %convert_element_type3A_389 = arith.extui %eq3A_388 : vector<100x128xi1> to vector<100x128xi32>
    %convert_element_type3A_390 = arith.sitofp %convert_element_type3A_389 : vector<100x128xi32> to vector<100x128xf32>
    %add3A_391 = arith.addf %add3A_380, %convert_element_type3A_390 : vector<100x128xf32>
    %get3A_392 = arith.constant 36 : index
    %get3A_393 = arith.constant 0 : index
    %get3A_394 = vector.load %arg0[%get3A_392, %get3A_393] : memref<79x128xi32, #tpu.memory_space<vmem>>, vector<1x128xi32>
    %get3A_395 = vector.shape_cast %get3A_394 : vector<1x128xi32> to vector<128xi32>
    %reshape3A_396 = vector.shape_cast %get3A_395 : vector<128xi32> to vector<1x128xi32>
    %eq3A_397 = vector.broadcast %reshape3A_396 : vector<1x128xi32> to vector<100x128xi32>
    %eq3A_398 = vector.broadcast %iota3A : vector<100x1xi32> to vector<100x128xi32>
    %eq3A_399 = arith.cmpi eq, %eq3A_397, %eq3A_398 : vector<100x128xi32>
    %convert_element_type3A_400 = arith.extui %eq3A_399 : vector<100x128xi1> to vector<100x128xi32>
    %convert_element_type3A_401 = arith.sitofp %convert_element_type3A_400 : vector<100x128xi32> to vector<100x128xf32>
    %add3A_402 = arith.addf %add3A_391, %convert_element_type3A_401 : vector<100x128xf32>
    %get3A_403 = arith.constant 37 : index
    %get3A_404 = arith.constant 0 : index
    %get3A_405 = vector.load %arg0[%get3A_403, %get3A_404] : memref<79x128xi32, #tpu.memory_space<vmem>>, vector<1x128xi32>
    %get3A_406 = vector.shape_cast %get3A_405 : vector<1x128xi32> to vector<128xi32>
    %reshape3A_407 = vector.shape_cast %get3A_406 : vector<128xi32> to vector<1x128xi32>
    %eq3A_408 = vector.broadcast %reshape3A_407 : vector<1x128xi32> to vector<100x128xi32>
    %eq3A_409 = vector.broadcast %iota3A : vector<100x1xi32> to vector<100x128xi32>
    %eq3A_410 = arith.cmpi eq, %eq3A_408, %eq3A_409 : vector<100x128xi32>
    %convert_element_type3A_411 = arith.extui %eq3A_410 : vector<100x128xi1> to vector<100x128xi32>
    %convert_element_type3A_412 = arith.sitofp %convert_element_type3A_411 : vector<100x128xi32> to vector<100x128xf32>
    %add3A_413 = arith.addf %add3A_402, %convert_element_type3A_412 : vector<100x128xf32>
    %get3A_414 = arith.constant 38 : index
    %get3A_415 = arith.constant 0 : index
    %get3A_416 = vector.load %arg0[%get3A_414, %get3A_415] : memref<79x128xi32, #tpu.memory_space<vmem>>, vector<1x128xi32>
    %get3A_417 = vector.shape_cast %get3A_416 : vector<1x128xi32> to vector<128xi32>
    %reshape3A_418 = vector.shape_cast %get3A_417 : vector<128xi32> to vector<1x128xi32>
    %eq3A_419 = vector.broadcast %reshape3A_418 : vector<1x128xi32> to vector<100x128xi32>
    %eq3A_420 = vector.broadcast %iota3A : vector<100x1xi32> to vector<100x128xi32>
    %eq3A_421 = arith.cmpi eq, %eq3A_419, %eq3A_420 : vector<100x128xi32>
    %convert_element_type3A_422 = arith.extui %eq3A_421 : vector<100x128xi1> to vector<100x128xi32>
    %convert_element_type3A_423 = arith.sitofp %convert_element_type3A_422 : vector<100x128xi32> to vector<100x128xf32>
    %add3A_424 = arith.addf %add3A_413, %convert_element_type3A_423 : vector<100x128xf32>
    %get3A_425 = arith.constant 39 : index
    %get3A_426 = arith.constant 0 : index
    %get3A_427 = vector.load %arg0[%get3A_425, %get3A_426] : memref<79x128xi32, #tpu.memory_space<vmem>>, vector<1x128xi32>
    %get3A_428 = vector.shape_cast %get3A_427 : vector<1x128xi32> to vector<128xi32>
    %reshape3A_429 = vector.shape_cast %get3A_428 : vector<128xi32> to vector<1x128xi32>
    %eq3A_430 = vector.broadcast %reshape3A_429 : vector<1x128xi32> to vector<100x128xi32>
    %eq3A_431 = vector.broadcast %iota3A : vector<100x1xi32> to vector<100x128xi32>
    %eq3A_432 = arith.cmpi eq, %eq3A_430, %eq3A_431 : vector<100x128xi32>
    %convert_element_type3A_433 = arith.extui %eq3A_432 : vector<100x128xi1> to vector<100x128xi32>
    %convert_element_type3A_434 = arith.sitofp %convert_element_type3A_433 : vector<100x128xi32> to vector<100x128xf32>
    %add3A_435 = arith.addf %add3A_424, %convert_element_type3A_434 : vector<100x128xf32>
    %get3A_436 = arith.constant 40 : index
    %get3A_437 = arith.constant 0 : index
    %get3A_438 = vector.load %arg0[%get3A_436, %get3A_437] : memref<79x128xi32, #tpu.memory_space<vmem>>, vector<1x128xi32>
    %get3A_439 = vector.shape_cast %get3A_438 : vector<1x128xi32> to vector<128xi32>
    %reshape3A_440 = vector.shape_cast %get3A_439 : vector<128xi32> to vector<1x128xi32>
    %eq3A_441 = vector.broadcast %reshape3A_440 : vector<1x128xi32> to vector<100x128xi32>
    %eq3A_442 = vector.broadcast %iota3A : vector<100x1xi32> to vector<100x128xi32>
    %eq3A_443 = arith.cmpi eq, %eq3A_441, %eq3A_442 : vector<100x128xi32>
    %convert_element_type3A_444 = arith.extui %eq3A_443 : vector<100x128xi1> to vector<100x128xi32>
    %convert_element_type3A_445 = arith.sitofp %convert_element_type3A_444 : vector<100x128xi32> to vector<100x128xf32>
    %add3A_446 = arith.addf %add3A_435, %convert_element_type3A_445 : vector<100x128xf32>
    %get3A_447 = arith.constant 41 : index
    %get3A_448 = arith.constant 0 : index
    %get3A_449 = vector.load %arg0[%get3A_447, %get3A_448] : memref<79x128xi32, #tpu.memory_space<vmem>>, vector<1x128xi32>
    %get3A_450 = vector.shape_cast %get3A_449 : vector<1x128xi32> to vector<128xi32>
    %reshape3A_451 = vector.shape_cast %get3A_450 : vector<128xi32> to vector<1x128xi32>
    %eq3A_452 = vector.broadcast %reshape3A_451 : vector<1x128xi32> to vector<100x128xi32>
    %eq3A_453 = vector.broadcast %iota3A : vector<100x1xi32> to vector<100x128xi32>
    %eq3A_454 = arith.cmpi eq, %eq3A_452, %eq3A_453 : vector<100x128xi32>
    %convert_element_type3A_455 = arith.extui %eq3A_454 : vector<100x128xi1> to vector<100x128xi32>
    %convert_element_type3A_456 = arith.sitofp %convert_element_type3A_455 : vector<100x128xi32> to vector<100x128xf32>
    %add3A_457 = arith.addf %add3A_446, %convert_element_type3A_456 : vector<100x128xf32>
    %get3A_458 = arith.constant 42 : index
    %get3A_459 = arith.constant 0 : index
    %get3A_460 = vector.load %arg0[%get3A_458, %get3A_459] : memref<79x128xi32, #tpu.memory_space<vmem>>, vector<1x128xi32>
    %get3A_461 = vector.shape_cast %get3A_460 : vector<1x128xi32> to vector<128xi32>
    %reshape3A_462 = vector.shape_cast %get3A_461 : vector<128xi32> to vector<1x128xi32>
    %eq3A_463 = vector.broadcast %reshape3A_462 : vector<1x128xi32> to vector<100x128xi32>
    %eq3A_464 = vector.broadcast %iota3A : vector<100x1xi32> to vector<100x128xi32>
    %eq3A_465 = arith.cmpi eq, %eq3A_463, %eq3A_464 : vector<100x128xi32>
    %convert_element_type3A_466 = arith.extui %eq3A_465 : vector<100x128xi1> to vector<100x128xi32>
    %convert_element_type3A_467 = arith.sitofp %convert_element_type3A_466 : vector<100x128xi32> to vector<100x128xf32>
    %add3A_468 = arith.addf %add3A_457, %convert_element_type3A_467 : vector<100x128xf32>
    %get3A_469 = arith.constant 43 : index
    %get3A_470 = arith.constant 0 : index
    %get3A_471 = vector.load %arg0[%get3A_469, %get3A_470] : memref<79x128xi32, #tpu.memory_space<vmem>>, vector<1x128xi32>
    %get3A_472 = vector.shape_cast %get3A_471 : vector<1x128xi32> to vector<128xi32>
    %reshape3A_473 = vector.shape_cast %get3A_472 : vector<128xi32> to vector<1x128xi32>
    %eq3A_474 = vector.broadcast %reshape3A_473 : vector<1x128xi32> to vector<100x128xi32>
    %eq3A_475 = vector.broadcast %iota3A : vector<100x1xi32> to vector<100x128xi32>
    %eq3A_476 = arith.cmpi eq, %eq3A_474, %eq3A_475 : vector<100x128xi32>
    %convert_element_type3A_477 = arith.extui %eq3A_476 : vector<100x128xi1> to vector<100x128xi32>
    %convert_element_type3A_478 = arith.sitofp %convert_element_type3A_477 : vector<100x128xi32> to vector<100x128xf32>
    %add3A_479 = arith.addf %add3A_468, %convert_element_type3A_478 : vector<100x128xf32>
    %get3A_480 = arith.constant 44 : index
    %get3A_481 = arith.constant 0 : index
    %get3A_482 = vector.load %arg0[%get3A_480, %get3A_481] : memref<79x128xi32, #tpu.memory_space<vmem>>, vector<1x128xi32>
    %get3A_483 = vector.shape_cast %get3A_482 : vector<1x128xi32> to vector<128xi32>
    %reshape3A_484 = vector.shape_cast %get3A_483 : vector<128xi32> to vector<1x128xi32>
    %eq3A_485 = vector.broadcast %reshape3A_484 : vector<1x128xi32> to vector<100x128xi32>
    %eq3A_486 = vector.broadcast %iota3A : vector<100x1xi32> to vector<100x128xi32>
    %eq3A_487 = arith.cmpi eq, %eq3A_485, %eq3A_486 : vector<100x128xi32>
    %convert_element_type3A_488 = arith.extui %eq3A_487 : vector<100x128xi1> to vector<100x128xi32>
    %convert_element_type3A_489 = arith.sitofp %convert_element_type3A_488 : vector<100x128xi32> to vector<100x128xf32>
    %add3A_490 = arith.addf %add3A_479, %convert_element_type3A_489 : vector<100x128xf32>
    %get3A_491 = arith.constant 45 : index
    %get3A_492 = arith.constant 0 : index
    %get3A_493 = vector.load %arg0[%get3A_491, %get3A_492] : memref<79x128xi32, #tpu.memory_space<vmem>>, vector<1x128xi32>
    %get3A_494 = vector.shape_cast %get3A_493 : vector<1x128xi32> to vector<128xi32>
    %reshape3A_495 = vector.shape_cast %get3A_494 : vector<128xi32> to vector<1x128xi32>
    %eq3A_496 = vector.broadcast %reshape3A_495 : vector<1x128xi32> to vector<100x128xi32>
    %eq3A_497 = vector.broadcast %iota3A : vector<100x1xi32> to vector<100x128xi32>
    %eq3A_498 = arith.cmpi eq, %eq3A_496, %eq3A_497 : vector<100x128xi32>
    %convert_element_type3A_499 = arith.extui %eq3A_498 : vector<100x128xi1> to vector<100x128xi32>
    %convert_element_type3A_500 = arith.sitofp %convert_element_type3A_499 : vector<100x128xi32> to vector<100x128xf32>
    %add3A_501 = arith.addf %add3A_490, %convert_element_type3A_500 : vector<100x128xf32>
    %get3A_502 = arith.constant 46 : index
    %get3A_503 = arith.constant 0 : index
    %get3A_504 = vector.load %arg0[%get3A_502, %get3A_503] : memref<79x128xi32, #tpu.memory_space<vmem>>, vector<1x128xi32>
    %get3A_505 = vector.shape_cast %get3A_504 : vector<1x128xi32> to vector<128xi32>
    %reshape3A_506 = vector.shape_cast %get3A_505 : vector<128xi32> to vector<1x128xi32>
    %eq3A_507 = vector.broadcast %reshape3A_506 : vector<1x128xi32> to vector<100x128xi32>
    %eq3A_508 = vector.broadcast %iota3A : vector<100x1xi32> to vector<100x128xi32>
    %eq3A_509 = arith.cmpi eq, %eq3A_507, %eq3A_508 : vector<100x128xi32>
    %convert_element_type3A_510 = arith.extui %eq3A_509 : vector<100x128xi1> to vector<100x128xi32>
    %convert_element_type3A_511 = arith.sitofp %convert_element_type3A_510 : vector<100x128xi32> to vector<100x128xf32>
    %add3A_512 = arith.addf %add3A_501, %convert_element_type3A_511 : vector<100x128xf32>
    %get3A_513 = arith.constant 47 : index
    %get3A_514 = arith.constant 0 : index
    %get3A_515 = vector.load %arg0[%get3A_513, %get3A_514] : memref<79x128xi32, #tpu.memory_space<vmem>>, vector<1x128xi32>
    %get3A_516 = vector.shape_cast %get3A_515 : vector<1x128xi32> to vector<128xi32>
    %reshape3A_517 = vector.shape_cast %get3A_516 : vector<128xi32> to vector<1x128xi32>
    %eq3A_518 = vector.broadcast %reshape3A_517 : vector<1x128xi32> to vector<100x128xi32>
    %eq3A_519 = vector.broadcast %iota3A : vector<100x1xi32> to vector<100x128xi32>
    %eq3A_520 = arith.cmpi eq, %eq3A_518, %eq3A_519 : vector<100x128xi32>
    %convert_element_type3A_521 = arith.extui %eq3A_520 : vector<100x128xi1> to vector<100x128xi32>
    %convert_element_type3A_522 = arith.sitofp %convert_element_type3A_521 : vector<100x128xi32> to vector<100x128xf32>
    %add3A_523 = arith.addf %add3A_512, %convert_element_type3A_522 : vector<100x128xf32>
    %get3A_524 = arith.constant 48 : index
    %get3A_525 = arith.constant 0 : index
    %get3A_526 = vector.load %arg0[%get3A_524, %get3A_525] : memref<79x128xi32, #tpu.memory_space<vmem>>, vector<1x128xi32>
    %get3A_527 = vector.shape_cast %get3A_526 : vector<1x128xi32> to vector<128xi32>
    %reshape3A_528 = vector.shape_cast %get3A_527 : vector<128xi32> to vector<1x128xi32>
    %eq3A_529 = vector.broadcast %reshape3A_528 : vector<1x128xi32> to vector<100x128xi32>
    %eq3A_530 = vector.broadcast %iota3A : vector<100x1xi32> to vector<100x128xi32>
    %eq3A_531 = arith.cmpi eq, %eq3A_529, %eq3A_530 : vector<100x128xi32>
    %convert_element_type3A_532 = arith.extui %eq3A_531 : vector<100x128xi1> to vector<100x128xi32>
    %convert_element_type3A_533 = arith.sitofp %convert_element_type3A_532 : vector<100x128xi32> to vector<100x128xf32>
    %add3A_534 = arith.addf %add3A_523, %convert_element_type3A_533 : vector<100x128xf32>
    %get3A_535 = arith.constant 49 : index
    %get3A_536 = arith.constant 0 : index
    %get3A_537 = vector.load %arg0[%get3A_535, %get3A_536] : memref<79x128xi32, #tpu.memory_space<vmem>>, vector<1x128xi32>
    %get3A_538 = vector.shape_cast %get3A_537 : vector<1x128xi32> to vector<128xi32>
    %reshape3A_539 = vector.shape_cast %get3A_538 : vector<128xi32> to vector<1x128xi32>
    %eq3A_540 = vector.broadcast %reshape3A_539 : vector<1x128xi32> to vector<100x128xi32>
    %eq3A_541 = vector.broadcast %iota3A : vector<100x1xi32> to vector<100x128xi32>
    %eq3A_542 = arith.cmpi eq, %eq3A_540, %eq3A_541 : vector<100x128xi32>
    %convert_element_type3A_543 = arith.extui %eq3A_542 : vector<100x128xi1> to vector<100x128xi32>
    %convert_element_type3A_544 = arith.sitofp %convert_element_type3A_543 : vector<100x128xi32> to vector<100x128xf32>
    %add3A_545 = arith.addf %add3A_534, %convert_element_type3A_544 : vector<100x128xf32>
    %get3A_546 = arith.constant 50 : index
    %get3A_547 = arith.constant 0 : index
    %get3A_548 = vector.load %arg0[%get3A_546, %get3A_547] : memref<79x128xi32, #tpu.memory_space<vmem>>, vector<1x128xi32>
    %get3A_549 = vector.shape_cast %get3A_548 : vector<1x128xi32> to vector<128xi32>
    %reshape3A_550 = vector.shape_cast %get3A_549 : vector<128xi32> to vector<1x128xi32>
    %eq3A_551 = vector.broadcast %reshape3A_550 : vector<1x128xi32> to vector<100x128xi32>
    %eq3A_552 = vector.broadcast %iota3A : vector<100x1xi32> to vector<100x128xi32>
    %eq3A_553 = arith.cmpi eq, %eq3A_551, %eq3A_552 : vector<100x128xi32>
    %convert_element_type3A_554 = arith.extui %eq3A_553 : vector<100x128xi1> to vector<100x128xi32>
    %convert_element_type3A_555 = arith.sitofp %convert_element_type3A_554 : vector<100x128xi32> to vector<100x128xf32>
    %add3A_556 = arith.addf %add3A_545, %convert_element_type3A_555 : vector<100x128xf32>
    %get3A_557 = arith.constant 51 : index
    %get3A_558 = arith.constant 0 : index
    %get3A_559 = vector.load %arg0[%get3A_557, %get3A_558] : memref<79x128xi32, #tpu.memory_space<vmem>>, vector<1x128xi32>
    %get3A_560 = vector.shape_cast %get3A_559 : vector<1x128xi32> to vector<128xi32>
    %reshape3A_561 = vector.shape_cast %get3A_560 : vector<128xi32> to vector<1x128xi32>
    %eq3A_562 = vector.broadcast %reshape3A_561 : vector<1x128xi32> to vector<100x128xi32>
    %eq3A_563 = vector.broadcast %iota3A : vector<100x1xi32> to vector<100x128xi32>
    %eq3A_564 = arith.cmpi eq, %eq3A_562, %eq3A_563 : vector<100x128xi32>
    %convert_element_type3A_565 = arith.extui %eq3A_564 : vector<100x128xi1> to vector<100x128xi32>
    %convert_element_type3A_566 = arith.sitofp %convert_element_type3A_565 : vector<100x128xi32> to vector<100x128xf32>
    %add3A_567 = arith.addf %add3A_556, %convert_element_type3A_566 : vector<100x128xf32>
    %get3A_568 = arith.constant 52 : index
    %get3A_569 = arith.constant 0 : index
    %get3A_570 = vector.load %arg0[%get3A_568, %get3A_569] : memref<79x128xi32, #tpu.memory_space<vmem>>, vector<1x128xi32>
    %get3A_571 = vector.shape_cast %get3A_570 : vector<1x128xi32> to vector<128xi32>
    %reshape3A_572 = vector.shape_cast %get3A_571 : vector<128xi32> to vector<1x128xi32>
    %eq3A_573 = vector.broadcast %reshape3A_572 : vector<1x128xi32> to vector<100x128xi32>
    %eq3A_574 = vector.broadcast %iota3A : vector<100x1xi32> to vector<100x128xi32>
    %eq3A_575 = arith.cmpi eq, %eq3A_573, %eq3A_574 : vector<100x128xi32>
    %convert_element_type3A_576 = arith.extui %eq3A_575 : vector<100x128xi1> to vector<100x128xi32>
    %convert_element_type3A_577 = arith.sitofp %convert_element_type3A_576 : vector<100x128xi32> to vector<100x128xf32>
    %add3A_578 = arith.addf %add3A_567, %convert_element_type3A_577 : vector<100x128xf32>
    %get3A_579 = arith.constant 53 : index
    %get3A_580 = arith.constant 0 : index
    %get3A_581 = vector.load %arg0[%get3A_579, %get3A_580] : memref<79x128xi32, #tpu.memory_space<vmem>>, vector<1x128xi32>
    %get3A_582 = vector.shape_cast %get3A_581 : vector<1x128xi32> to vector<128xi32>
    %reshape3A_583 = vector.shape_cast %get3A_582 : vector<128xi32> to vector<1x128xi32>
    %eq3A_584 = vector.broadcast %reshape3A_583 : vector<1x128xi32> to vector<100x128xi32>
    %eq3A_585 = vector.broadcast %iota3A : vector<100x1xi32> to vector<100x128xi32>
    %eq3A_586 = arith.cmpi eq, %eq3A_584, %eq3A_585 : vector<100x128xi32>
    %convert_element_type3A_587 = arith.extui %eq3A_586 : vector<100x128xi1> to vector<100x128xi32>
    %convert_element_type3A_588 = arith.sitofp %convert_element_type3A_587 : vector<100x128xi32> to vector<100x128xf32>
    %add3A_589 = arith.addf %add3A_578, %convert_element_type3A_588 : vector<100x128xf32>
    %get3A_590 = arith.constant 54 : index
    %get3A_591 = arith.constant 0 : index
    %get3A_592 = vector.load %arg0[%get3A_590, %get3A_591] : memref<79x128xi32, #tpu.memory_space<vmem>>, vector<1x128xi32>
    %get3A_593 = vector.shape_cast %get3A_592 : vector<1x128xi32> to vector<128xi32>
    %reshape3A_594 = vector.shape_cast %get3A_593 : vector<128xi32> to vector<1x128xi32>
    %eq3A_595 = vector.broadcast %reshape3A_594 : vector<1x128xi32> to vector<100x128xi32>
    %eq3A_596 = vector.broadcast %iota3A : vector<100x1xi32> to vector<100x128xi32>
    %eq3A_597 = arith.cmpi eq, %eq3A_595, %eq3A_596 : vector<100x128xi32>
    %convert_element_type3A_598 = arith.extui %eq3A_597 : vector<100x128xi1> to vector<100x128xi32>
    %convert_element_type3A_599 = arith.sitofp %convert_element_type3A_598 : vector<100x128xi32> to vector<100x128xf32>
    %add3A_600 = arith.addf %add3A_589, %convert_element_type3A_599 : vector<100x128xf32>
    %get3A_601 = arith.constant 55 : index
    %get3A_602 = arith.constant 0 : index
    %get3A_603 = vector.load %arg0[%get3A_601, %get3A_602] : memref<79x128xi32, #tpu.memory_space<vmem>>, vector<1x128xi32>
    %get3A_604 = vector.shape_cast %get3A_603 : vector<1x128xi32> to vector<128xi32>
    %reshape3A_605 = vector.shape_cast %get3A_604 : vector<128xi32> to vector<1x128xi32>
    %eq3A_606 = vector.broadcast %reshape3A_605 : vector<1x128xi32> to vector<100x128xi32>
    %eq3A_607 = vector.broadcast %iota3A : vector<100x1xi32> to vector<100x128xi32>
    %eq3A_608 = arith.cmpi eq, %eq3A_606, %eq3A_607 : vector<100x128xi32>
    %convert_element_type3A_609 = arith.extui %eq3A_608 : vector<100x128xi1> to vector<100x128xi32>
    %convert_element_type3A_610 = arith.sitofp %convert_element_type3A_609 : vector<100x128xi32> to vector<100x128xf32>
    %add3A_611 = arith.addf %add3A_600, %convert_element_type3A_610 : vector<100x128xf32>
    %get3A_612 = arith.constant 56 : index
    %get3A_613 = arith.constant 0 : index
    %get3A_614 = vector.load %arg0[%get3A_612, %get3A_613] : memref<79x128xi32, #tpu.memory_space<vmem>>, vector<1x128xi32>
    %get3A_615 = vector.shape_cast %get3A_614 : vector<1x128xi32> to vector<128xi32>
    %reshape3A_616 = vector.shape_cast %get3A_615 : vector<128xi32> to vector<1x128xi32>
    %eq3A_617 = vector.broadcast %reshape3A_616 : vector<1x128xi32> to vector<100x128xi32>
    %eq3A_618 = vector.broadcast %iota3A : vector<100x1xi32> to vector<100x128xi32>
    %eq3A_619 = arith.cmpi eq, %eq3A_617, %eq3A_618 : vector<100x128xi32>
    %convert_element_type3A_620 = arith.extui %eq3A_619 : vector<100x128xi1> to vector<100x128xi32>
    %convert_element_type3A_621 = arith.sitofp %convert_element_type3A_620 : vector<100x128xi32> to vector<100x128xf32>
    %add3A_622 = arith.addf %add3A_611, %convert_element_type3A_621 : vector<100x128xf32>
    %get3A_623 = arith.constant 57 : index
    %get3A_624 = arith.constant 0 : index
    %get3A_625 = vector.load %arg0[%get3A_623, %get3A_624] : memref<79x128xi32, #tpu.memory_space<vmem>>, vector<1x128xi32>
    %get3A_626 = vector.shape_cast %get3A_625 : vector<1x128xi32> to vector<128xi32>
    %reshape3A_627 = vector.shape_cast %get3A_626 : vector<128xi32> to vector<1x128xi32>
    %eq3A_628 = vector.broadcast %reshape3A_627 : vector<1x128xi32> to vector<100x128xi32>
    %eq3A_629 = vector.broadcast %iota3A : vector<100x1xi32> to vector<100x128xi32>
    %eq3A_630 = arith.cmpi eq, %eq3A_628, %eq3A_629 : vector<100x128xi32>
    %convert_element_type3A_631 = arith.extui %eq3A_630 : vector<100x128xi1> to vector<100x128xi32>
    %convert_element_type3A_632 = arith.sitofp %convert_element_type3A_631 : vector<100x128xi32> to vector<100x128xf32>
    %add3A_633 = arith.addf %add3A_622, %convert_element_type3A_632 : vector<100x128xf32>
    %get3A_634 = arith.constant 58 : index
    %get3A_635 = arith.constant 0 : index
    %get3A_636 = vector.load %arg0[%get3A_634, %get3A_635] : memref<79x128xi32, #tpu.memory_space<vmem>>, vector<1x128xi32>
    %get3A_637 = vector.shape_cast %get3A_636 : vector<1x128xi32> to vector<128xi32>
    %reshape3A_638 = vector.shape_cast %get3A_637 : vector<128xi32> to vector<1x128xi32>
    %eq3A_639 = vector.broadcast %reshape3A_638 : vector<1x128xi32> to vector<100x128xi32>
    %eq3A_640 = vector.broadcast %iota3A : vector<100x1xi32> to vector<100x128xi32>
    %eq3A_641 = arith.cmpi eq, %eq3A_639, %eq3A_640 : vector<100x128xi32>
    %convert_element_type3A_642 = arith.extui %eq3A_641 : vector<100x128xi1> to vector<100x128xi32>
    %convert_element_type3A_643 = arith.sitofp %convert_element_type3A_642 : vector<100x128xi32> to vector<100x128xf32>
    %add3A_644 = arith.addf %add3A_633, %convert_element_type3A_643 : vector<100x128xf32>
    %get3A_645 = arith.constant 59 : index
    %get3A_646 = arith.constant 0 : index
    %get3A_647 = vector.load %arg0[%get3A_645, %get3A_646] : memref<79x128xi32, #tpu.memory_space<vmem>>, vector<1x128xi32>
    %get3A_648 = vector.shape_cast %get3A_647 : vector<1x128xi32> to vector<128xi32>
    %reshape3A_649 = vector.shape_cast %get3A_648 : vector<128xi32> to vector<1x128xi32>
    %eq3A_650 = vector.broadcast %reshape3A_649 : vector<1x128xi32> to vector<100x128xi32>
    %eq3A_651 = vector.broadcast %iota3A : vector<100x1xi32> to vector<100x128xi32>
    %eq3A_652 = arith.cmpi eq, %eq3A_650, %eq3A_651 : vector<100x128xi32>
    %convert_element_type3A_653 = arith.extui %eq3A_652 : vector<100x128xi1> to vector<100x128xi32>
    %convert_element_type3A_654 = arith.sitofp %convert_element_type3A_653 : vector<100x128xi32> to vector<100x128xf32>
    %add3A_655 = arith.addf %add3A_644, %convert_element_type3A_654 : vector<100x128xf32>
    %get3A_656 = arith.constant 60 : index
    %get3A_657 = arith.constant 0 : index
    %get3A_658 = vector.load %arg0[%get3A_656, %get3A_657] : memref<79x128xi32, #tpu.memory_space<vmem>>, vector<1x128xi32>
    %get3A_659 = vector.shape_cast %get3A_658 : vector<1x128xi32> to vector<128xi32>
    %reshape3A_660 = vector.shape_cast %get3A_659 : vector<128xi32> to vector<1x128xi32>
    %eq3A_661 = vector.broadcast %reshape3A_660 : vector<1x128xi32> to vector<100x128xi32>
    %eq3A_662 = vector.broadcast %iota3A : vector<100x1xi32> to vector<100x128xi32>
    %eq3A_663 = arith.cmpi eq, %eq3A_661, %eq3A_662 : vector<100x128xi32>
    %convert_element_type3A_664 = arith.extui %eq3A_663 : vector<100x128xi1> to vector<100x128xi32>
    %convert_element_type3A_665 = arith.sitofp %convert_element_type3A_664 : vector<100x128xi32> to vector<100x128xf32>
    %add3A_666 = arith.addf %add3A_655, %convert_element_type3A_665 : vector<100x128xf32>
    %get3A_667 = arith.constant 61 : index
    %get3A_668 = arith.constant 0 : index
    %get3A_669 = vector.load %arg0[%get3A_667, %get3A_668] : memref<79x128xi32, #tpu.memory_space<vmem>>, vector<1x128xi32>
    %get3A_670 = vector.shape_cast %get3A_669 : vector<1x128xi32> to vector<128xi32>
    %reshape3A_671 = vector.shape_cast %get3A_670 : vector<128xi32> to vector<1x128xi32>
    %eq3A_672 = vector.broadcast %reshape3A_671 : vector<1x128xi32> to vector<100x128xi32>
    %eq3A_673 = vector.broadcast %iota3A : vector<100x1xi32> to vector<100x128xi32>
    %eq3A_674 = arith.cmpi eq, %eq3A_672, %eq3A_673 : vector<100x128xi32>
    %convert_element_type3A_675 = arith.extui %eq3A_674 : vector<100x128xi1> to vector<100x128xi32>
    %convert_element_type3A_676 = arith.sitofp %convert_element_type3A_675 : vector<100x128xi32> to vector<100x128xf32>
    %add3A_677 = arith.addf %add3A_666, %convert_element_type3A_676 : vector<100x128xf32>
    %get3A_678 = arith.constant 62 : index
    %get3A_679 = arith.constant 0 : index
    %get3A_680 = vector.load %arg0[%get3A_678, %get3A_679] : memref<79x128xi32, #tpu.memory_space<vmem>>, vector<1x128xi32>
    %get3A_681 = vector.shape_cast %get3A_680 : vector<1x128xi32> to vector<128xi32>
    %reshape3A_682 = vector.shape_cast %get3A_681 : vector<128xi32> to vector<1x128xi32>
    %eq3A_683 = vector.broadcast %reshape3A_682 : vector<1x128xi32> to vector<100x128xi32>
    %eq3A_684 = vector.broadcast %iota3A : vector<100x1xi32> to vector<100x128xi32>
    %eq3A_685 = arith.cmpi eq, %eq3A_683, %eq3A_684 : vector<100x128xi32>
    %convert_element_type3A_686 = arith.extui %eq3A_685 : vector<100x128xi1> to vector<100x128xi32>
    %convert_element_type3A_687 = arith.sitofp %convert_element_type3A_686 : vector<100x128xi32> to vector<100x128xf32>
    %add3A_688 = arith.addf %add3A_677, %convert_element_type3A_687 : vector<100x128xf32>
    %get3A_689 = arith.constant 63 : index
    %get3A_690 = arith.constant 0 : index
    %get3A_691 = vector.load %arg0[%get3A_689, %get3A_690] : memref<79x128xi32, #tpu.memory_space<vmem>>, vector<1x128xi32>
    %get3A_692 = vector.shape_cast %get3A_691 : vector<1x128xi32> to vector<128xi32>
    %reshape3A_693 = vector.shape_cast %get3A_692 : vector<128xi32> to vector<1x128xi32>
    %eq3A_694 = vector.broadcast %reshape3A_693 : vector<1x128xi32> to vector<100x128xi32>
    %eq3A_695 = vector.broadcast %iota3A : vector<100x1xi32> to vector<100x128xi32>
    %eq3A_696 = arith.cmpi eq, %eq3A_694, %eq3A_695 : vector<100x128xi32>
    %convert_element_type3A_697 = arith.extui %eq3A_696 : vector<100x128xi1> to vector<100x128xi32>
    %convert_element_type3A_698 = arith.sitofp %convert_element_type3A_697 : vector<100x128xi32> to vector<100x128xf32>
    %add3A_699 = arith.addf %add3A_688, %convert_element_type3A_698 : vector<100x128xf32>
    %get3A_700 = arith.constant 64 : index
    %get3A_701 = arith.constant 0 : index
    %get3A_702 = vector.load %arg0[%get3A_700, %get3A_701] : memref<79x128xi32, #tpu.memory_space<vmem>>, vector<1x128xi32>
    %get3A_703 = vector.shape_cast %get3A_702 : vector<1x128xi32> to vector<128xi32>
    %reshape3A_704 = vector.shape_cast %get3A_703 : vector<128xi32> to vector<1x128xi32>
    %eq3A_705 = vector.broadcast %reshape3A_704 : vector<1x128xi32> to vector<100x128xi32>
    %eq3A_706 = vector.broadcast %iota3A : vector<100x1xi32> to vector<100x128xi32>
    %eq3A_707 = arith.cmpi eq, %eq3A_705, %eq3A_706 : vector<100x128xi32>
    %convert_element_type3A_708 = arith.extui %eq3A_707 : vector<100x128xi1> to vector<100x128xi32>
    %convert_element_type3A_709 = arith.sitofp %convert_element_type3A_708 : vector<100x128xi32> to vector<100x128xf32>
    %add3A_710 = arith.addf %add3A_699, %convert_element_type3A_709 : vector<100x128xf32>
    %get3A_711 = arith.constant 65 : index
    %get3A_712 = arith.constant 0 : index
    %get3A_713 = vector.load %arg0[%get3A_711, %get3A_712] : memref<79x128xi32, #tpu.memory_space<vmem>>, vector<1x128xi32>
    %get3A_714 = vector.shape_cast %get3A_713 : vector<1x128xi32> to vector<128xi32>
    %reshape3A_715 = vector.shape_cast %get3A_714 : vector<128xi32> to vector<1x128xi32>
    %eq3A_716 = vector.broadcast %reshape3A_715 : vector<1x128xi32> to vector<100x128xi32>
    %eq3A_717 = vector.broadcast %iota3A : vector<100x1xi32> to vector<100x128xi32>
    %eq3A_718 = arith.cmpi eq, %eq3A_716, %eq3A_717 : vector<100x128xi32>
    %convert_element_type3A_719 = arith.extui %eq3A_718 : vector<100x128xi1> to vector<100x128xi32>
    %convert_element_type3A_720 = arith.sitofp %convert_element_type3A_719 : vector<100x128xi32> to vector<100x128xf32>
    %add3A_721 = arith.addf %add3A_710, %convert_element_type3A_720 : vector<100x128xf32>
    %get3A_722 = arith.constant 66 : index
    %get3A_723 = arith.constant 0 : index
    %get3A_724 = vector.load %arg0[%get3A_722, %get3A_723] : memref<79x128xi32, #tpu.memory_space<vmem>>, vector<1x128xi32>
    %get3A_725 = vector.shape_cast %get3A_724 : vector<1x128xi32> to vector<128xi32>
    %reshape3A_726 = vector.shape_cast %get3A_725 : vector<128xi32> to vector<1x128xi32>
    %eq3A_727 = vector.broadcast %reshape3A_726 : vector<1x128xi32> to vector<100x128xi32>
    %eq3A_728 = vector.broadcast %iota3A : vector<100x1xi32> to vector<100x128xi32>
    %eq3A_729 = arith.cmpi eq, %eq3A_727, %eq3A_728 : vector<100x128xi32>
    %convert_element_type3A_730 = arith.extui %eq3A_729 : vector<100x128xi1> to vector<100x128xi32>
    %convert_element_type3A_731 = arith.sitofp %convert_element_type3A_730 : vector<100x128xi32> to vector<100x128xf32>
    %add3A_732 = arith.addf %add3A_721, %convert_element_type3A_731 : vector<100x128xf32>
    %get3A_733 = arith.constant 67 : index
    %get3A_734 = arith.constant 0 : index
    %get3A_735 = vector.load %arg0[%get3A_733, %get3A_734] : memref<79x128xi32, #tpu.memory_space<vmem>>, vector<1x128xi32>
    %get3A_736 = vector.shape_cast %get3A_735 : vector<1x128xi32> to vector<128xi32>
    %reshape3A_737 = vector.shape_cast %get3A_736 : vector<128xi32> to vector<1x128xi32>
    %eq3A_738 = vector.broadcast %reshape3A_737 : vector<1x128xi32> to vector<100x128xi32>
    %eq3A_739 = vector.broadcast %iota3A : vector<100x1xi32> to vector<100x128xi32>
    %eq3A_740 = arith.cmpi eq, %eq3A_738, %eq3A_739 : vector<100x128xi32>
    %convert_element_type3A_741 = arith.extui %eq3A_740 : vector<100x128xi1> to vector<100x128xi32>
    %convert_element_type3A_742 = arith.sitofp %convert_element_type3A_741 : vector<100x128xi32> to vector<100x128xf32>
    %add3A_743 = arith.addf %add3A_732, %convert_element_type3A_742 : vector<100x128xf32>
    %get3A_744 = arith.constant 68 : index
    %get3A_745 = arith.constant 0 : index
    %get3A_746 = vector.load %arg0[%get3A_744, %get3A_745] : memref<79x128xi32, #tpu.memory_space<vmem>>, vector<1x128xi32>
    %get3A_747 = vector.shape_cast %get3A_746 : vector<1x128xi32> to vector<128xi32>
    %reshape3A_748 = vector.shape_cast %get3A_747 : vector<128xi32> to vector<1x128xi32>
    %eq3A_749 = vector.broadcast %reshape3A_748 : vector<1x128xi32> to vector<100x128xi32>
    %eq3A_750 = vector.broadcast %iota3A : vector<100x1xi32> to vector<100x128xi32>
    %eq3A_751 = arith.cmpi eq, %eq3A_749, %eq3A_750 : vector<100x128xi32>
    %convert_element_type3A_752 = arith.extui %eq3A_751 : vector<100x128xi1> to vector<100x128xi32>
    %convert_element_type3A_753 = arith.sitofp %convert_element_type3A_752 : vector<100x128xi32> to vector<100x128xf32>
    %add3A_754 = arith.addf %add3A_743, %convert_element_type3A_753 : vector<100x128xf32>
    %get3A_755 = arith.constant 69 : index
    %get3A_756 = arith.constant 0 : index
    %get3A_757 = vector.load %arg0[%get3A_755, %get3A_756] : memref<79x128xi32, #tpu.memory_space<vmem>>, vector<1x128xi32>
    %get3A_758 = vector.shape_cast %get3A_757 : vector<1x128xi32> to vector<128xi32>
    %reshape3A_759 = vector.shape_cast %get3A_758 : vector<128xi32> to vector<1x128xi32>
    %eq3A_760 = vector.broadcast %reshape3A_759 : vector<1x128xi32> to vector<100x128xi32>
    %eq3A_761 = vector.broadcast %iota3A : vector<100x1xi32> to vector<100x128xi32>
    %eq3A_762 = arith.cmpi eq, %eq3A_760, %eq3A_761 : vector<100x128xi32>
    %convert_element_type3A_763 = arith.extui %eq3A_762 : vector<100x128xi1> to vector<100x128xi32>
    %convert_element_type3A_764 = arith.sitofp %convert_element_type3A_763 : vector<100x128xi32> to vector<100x128xf32>
    %add3A_765 = arith.addf %add3A_754, %convert_element_type3A_764 : vector<100x128xf32>
    %get3A_766 = arith.constant 70 : index
    %get3A_767 = arith.constant 0 : index
    %get3A_768 = vector.load %arg0[%get3A_766, %get3A_767] : memref<79x128xi32, #tpu.memory_space<vmem>>, vector<1x128xi32>
    %get3A_769 = vector.shape_cast %get3A_768 : vector<1x128xi32> to vector<128xi32>
    %reshape3A_770 = vector.shape_cast %get3A_769 : vector<128xi32> to vector<1x128xi32>
    %eq3A_771 = vector.broadcast %reshape3A_770 : vector<1x128xi32> to vector<100x128xi32>
    %eq3A_772 = vector.broadcast %iota3A : vector<100x1xi32> to vector<100x128xi32>
    %eq3A_773 = arith.cmpi eq, %eq3A_771, %eq3A_772 : vector<100x128xi32>
    %convert_element_type3A_774 = arith.extui %eq3A_773 : vector<100x128xi1> to vector<100x128xi32>
    %convert_element_type3A_775 = arith.sitofp %convert_element_type3A_774 : vector<100x128xi32> to vector<100x128xf32>
    %add3A_776 = arith.addf %add3A_765, %convert_element_type3A_775 : vector<100x128xf32>
    %get3A_777 = arith.constant 71 : index
    %get3A_778 = arith.constant 0 : index
    %get3A_779 = vector.load %arg0[%get3A_777, %get3A_778] : memref<79x128xi32, #tpu.memory_space<vmem>>, vector<1x128xi32>
    %get3A_780 = vector.shape_cast %get3A_779 : vector<1x128xi32> to vector<128xi32>
    %reshape3A_781 = vector.shape_cast %get3A_780 : vector<128xi32> to vector<1x128xi32>
    %eq3A_782 = vector.broadcast %reshape3A_781 : vector<1x128xi32> to vector<100x128xi32>
    %eq3A_783 = vector.broadcast %iota3A : vector<100x1xi32> to vector<100x128xi32>
    %eq3A_784 = arith.cmpi eq, %eq3A_782, %eq3A_783 : vector<100x128xi32>
    %convert_element_type3A_785 = arith.extui %eq3A_784 : vector<100x128xi1> to vector<100x128xi32>
    %convert_element_type3A_786 = arith.sitofp %convert_element_type3A_785 : vector<100x128xi32> to vector<100x128xf32>
    %add3A_787 = arith.addf %add3A_776, %convert_element_type3A_786 : vector<100x128xf32>
    %get3A_788 = arith.constant 72 : index
    %get3A_789 = arith.constant 0 : index
    %get3A_790 = vector.load %arg0[%get3A_788, %get3A_789] : memref<79x128xi32, #tpu.memory_space<vmem>>, vector<1x128xi32>
    %get3A_791 = vector.shape_cast %get3A_790 : vector<1x128xi32> to vector<128xi32>
    %reshape3A_792 = vector.shape_cast %get3A_791 : vector<128xi32> to vector<1x128xi32>
    %eq3A_793 = vector.broadcast %reshape3A_792 : vector<1x128xi32> to vector<100x128xi32>
    %eq3A_794 = vector.broadcast %iota3A : vector<100x1xi32> to vector<100x128xi32>
    %eq3A_795 = arith.cmpi eq, %eq3A_793, %eq3A_794 : vector<100x128xi32>
    %convert_element_type3A_796 = arith.extui %eq3A_795 : vector<100x128xi1> to vector<100x128xi32>
    %convert_element_type3A_797 = arith.sitofp %convert_element_type3A_796 : vector<100x128xi32> to vector<100x128xf32>
    %add3A_798 = arith.addf %add3A_787, %convert_element_type3A_797 : vector<100x128xf32>
    %get3A_799 = arith.constant 73 : index
    %get3A_800 = arith.constant 0 : index
    %get3A_801 = vector.load %arg0[%get3A_799, %get3A_800] : memref<79x128xi32, #tpu.memory_space<vmem>>, vector<1x128xi32>
    %get3A_802 = vector.shape_cast %get3A_801 : vector<1x128xi32> to vector<128xi32>
    %reshape3A_803 = vector.shape_cast %get3A_802 : vector<128xi32> to vector<1x128xi32>
    %eq3A_804 = vector.broadcast %reshape3A_803 : vector<1x128xi32> to vector<100x128xi32>
    %eq3A_805 = vector.broadcast %iota3A : vector<100x1xi32> to vector<100x128xi32>
    %eq3A_806 = arith.cmpi eq, %eq3A_804, %eq3A_805 : vector<100x128xi32>
    %convert_element_type3A_807 = arith.extui %eq3A_806 : vector<100x128xi1> to vector<100x128xi32>
    %convert_element_type3A_808 = arith.sitofp %convert_element_type3A_807 : vector<100x128xi32> to vector<100x128xf32>
    %add3A_809 = arith.addf %add3A_798, %convert_element_type3A_808 : vector<100x128xf32>
    %get3A_810 = arith.constant 74 : index
    %get3A_811 = arith.constant 0 : index
    %get3A_812 = vector.load %arg0[%get3A_810, %get3A_811] : memref<79x128xi32, #tpu.memory_space<vmem>>, vector<1x128xi32>
    %get3A_813 = vector.shape_cast %get3A_812 : vector<1x128xi32> to vector<128xi32>
    %reshape3A_814 = vector.shape_cast %get3A_813 : vector<128xi32> to vector<1x128xi32>
    %eq3A_815 = vector.broadcast %reshape3A_814 : vector<1x128xi32> to vector<100x128xi32>
    %eq3A_816 = vector.broadcast %iota3A : vector<100x1xi32> to vector<100x128xi32>
    %eq3A_817 = arith.cmpi eq, %eq3A_815, %eq3A_816 : vector<100x128xi32>
    %convert_element_type3A_818 = arith.extui %eq3A_817 : vector<100x128xi1> to vector<100x128xi32>
    %convert_element_type3A_819 = arith.sitofp %convert_element_type3A_818 : vector<100x128xi32> to vector<100x128xf32>
    %add3A_820 = arith.addf %add3A_809, %convert_element_type3A_819 : vector<100x128xf32>
    %get3A_821 = arith.constant 75 : index
    %get3A_822 = arith.constant 0 : index
    %get3A_823 = vector.load %arg0[%get3A_821, %get3A_822] : memref<79x128xi32, #tpu.memory_space<vmem>>, vector<1x128xi32>
    %get3A_824 = vector.shape_cast %get3A_823 : vector<1x128xi32> to vector<128xi32>
    %reshape3A_825 = vector.shape_cast %get3A_824 : vector<128xi32> to vector<1x128xi32>
    %eq3A_826 = vector.broadcast %reshape3A_825 : vector<1x128xi32> to vector<100x128xi32>
    %eq3A_827 = vector.broadcast %iota3A : vector<100x1xi32> to vector<100x128xi32>
    %eq3A_828 = arith.cmpi eq, %eq3A_826, %eq3A_827 : vector<100x128xi32>
    %convert_element_type3A_829 = arith.extui %eq3A_828 : vector<100x128xi1> to vector<100x128xi32>
    %convert_element_type3A_830 = arith.sitofp %convert_element_type3A_829 : vector<100x128xi32> to vector<100x128xf32>
    %add3A_831 = arith.addf %add3A_820, %convert_element_type3A_830 : vector<100x128xf32>
    %get3A_832 = arith.constant 76 : index
    %get3A_833 = arith.constant 0 : index
    %get3A_834 = vector.load %arg0[%get3A_832, %get3A_833] : memref<79x128xi32, #tpu.memory_space<vmem>>, vector<1x128xi32>
    %get3A_835 = vector.shape_cast %get3A_834 : vector<1x128xi32> to vector<128xi32>
    %reshape3A_836 = vector.shape_cast %get3A_835 : vector<128xi32> to vector<1x128xi32>
    %eq3A_837 = vector.broadcast %reshape3A_836 : vector<1x128xi32> to vector<100x128xi32>
    %eq3A_838 = vector.broadcast %iota3A : vector<100x1xi32> to vector<100x128xi32>
    %eq3A_839 = arith.cmpi eq, %eq3A_837, %eq3A_838 : vector<100x128xi32>
    %convert_element_type3A_840 = arith.extui %eq3A_839 : vector<100x128xi1> to vector<100x128xi32>
    %convert_element_type3A_841 = arith.sitofp %convert_element_type3A_840 : vector<100x128xi32> to vector<100x128xf32>
    %add3A_842 = arith.addf %add3A_831, %convert_element_type3A_841 : vector<100x128xf32>
    %get3A_843 = arith.constant 77 : index
    %get3A_844 = arith.constant 0 : index
    %get3A_845 = vector.load %arg0[%get3A_843, %get3A_844] : memref<79x128xi32, #tpu.memory_space<vmem>>, vector<1x128xi32>
    %get3A_846 = vector.shape_cast %get3A_845 : vector<1x128xi32> to vector<128xi32>
    %reshape3A_847 = vector.shape_cast %get3A_846 : vector<128xi32> to vector<1x128xi32>
    %eq3A_848 = vector.broadcast %reshape3A_847 : vector<1x128xi32> to vector<100x128xi32>
    %eq3A_849 = vector.broadcast %iota3A : vector<100x1xi32> to vector<100x128xi32>
    %eq3A_850 = arith.cmpi eq, %eq3A_848, %eq3A_849 : vector<100x128xi32>
    %convert_element_type3A_851 = arith.extui %eq3A_850 : vector<100x128xi1> to vector<100x128xi32>
    %convert_element_type3A_852 = arith.sitofp %convert_element_type3A_851 : vector<100x128xi32> to vector<100x128xf32>
    %add3A_853 = arith.addf %add3A_842, %convert_element_type3A_852 : vector<100x128xf32>
    %get3A_854 = arith.constant 78 : index
    %get3A_855 = arith.constant 0 : index
    %get3A_856 = vector.load %arg0[%get3A_854, %get3A_855] : memref<79x128xi32, #tpu.memory_space<vmem>>, vector<1x128xi32>
    %get3A_857 = vector.shape_cast %get3A_856 : vector<1x128xi32> to vector<128xi32>
    %reshape3A_858 = vector.shape_cast %get3A_857 : vector<128xi32> to vector<1x128xi32>
    %eq3A_859 = vector.broadcast %reshape3A_858 : vector<1x128xi32> to vector<100x128xi32>
    %eq3A_860 = vector.broadcast %iota3A : vector<100x1xi32> to vector<100x128xi32>
    %eq3A_861 = arith.cmpi eq, %eq3A_859, %eq3A_860 : vector<100x128xi32>
    %convert_element_type3A_862 = arith.extui %eq3A_861 : vector<100x128xi1> to vector<100x128xi32>
    %convert_element_type3A_863 = arith.sitofp %convert_element_type3A_862 : vector<100x128xi32> to vector<100x128xf32>
    %add3A_864 = arith.addf %add3A_853, %convert_element_type3A_863 : vector<100x128xf32>
    %reduce_sum3A = arith.constant dense<0.000000e+00> : vector<100xf32>
    %reduce_sum3A_865 = vector.multi_reduction <add>, %add3A_864, %reduce_sum3A [1] : vector<100x128xf32> to vector<100xf32>
    %broadcast_in_dim3A_866 = vector.shape_cast %reduce_sum3A_865 : vector<100xf32> to vector<100x1xf32>
    %max3A = arith.constant 1.000000e+00 : f32
    %max3A_867 = vector.broadcast %max3A : f32 to vector<100x1xf32>
    %max3A_868 = arith.maximumf %broadcast_in_dim3A_866, %max3A_867 : vector<100x1xf32>
    %broadcast_in_dim3A_869 = arith.constant 1.000000e+00 : f32
    %broadcast_in_dim3A_870 = vector.broadcast %broadcast_in_dim3A_869 : f32 to vector<100x128xf32>
    %mul3A = vector.broadcast %max3A_868 : vector<100x1xf32> to vector<100x128xf32>
    %mul3A_871 = arith.mulf %mul3A, %broadcast_in_dim3A_870 : vector<100x128xf32>
    %swap3A = arith.constant 0 : index
    %swap3A_872 = arith.constant 0 : index
    %swap3A_873 = vector.load %arg1[%swap3A, %swap3A_872] : memref<100x128xf32, #tpu.memory_space<vmem>>, vector<100x128xf32>
    tpu.vector_store %arg1[%swap3A, %swap3A_872], %mul3A_871 {strides = array<i32>} : memref<100x128xf32, #tpu.memory_space<vmem>>, vector<100x128xf32>,
    return
  }
}

</mosaic_0001>

<sc_bundles>
// kernel: kernel.5.cloned.1.call-start
scs
__scs_entry_jumppad:
0x0: {  	(pc) =	sbr.rel $0x88, $3  }
0x1: {  	(tag) =	ssettag $0x0;
	lr =	simm.s32 $0x1  }
0x2: {  	[smem:$0x3F9C] =	sst lr;
	_ =	strace $0xD0000000  }
0x3: {  	_ = 	snop  }
0x4: {  	_ = 	snop  }
0x5: {  	_ = 	snop  }
0x6: {  	_ = 	snop  }
0x7: {  	_ = 	snop  }
__scs_overlays_trampoline_lowered:
0x8: {  	[smem:$0x3FAB] =	sst s0  }
0x9: {  	[smem:$0x3FAC] =	sst s1  }
0xa: {  	[smem:$0x3FAD] =	sst s2  }
0xb: {  	[smem:$0x3FAE] =	sst s3  }
0xc: {  	[smem:$0x3FAF] =	sst s4  }
0xd: {  	[smem:$0x3FB0] =	sst s5  }
0xe: {  	[smem:$0x3FB1] =	sst s6  }
0xf: {  	[smem:$0x3FB2] =	sst s7  }
0x10: {  	[smem:$0x3FB3] =	sst s8  }
0x11: {  	[smem:$0x3FB4] =	sst s9;
	s0 =	simm.s32 @!p0 $0x0  }
0x12: {  	s1 =	sld [smem:$0x3F9A];
	s0 =	simm.s32 @p0 $0x1  }
0x13: {  	[smem:$0x3FB5] =	sst s0;
	s0 =	simm.s32 @!p1 $0x0  }
0x14: {  	s2 =	sld [smem:$0x3F99];
	s0 =	simm.s32 @p1 $0x1  }
0x15: {  	[smem:$0x3FB6] =	sst s0;
	s0 =	simm.s32 @!p2 $0x0  }
0x16: {  	s3 =	sld [smem:$0x3FDB];
	s0 =	simm.s32 @p2 $0x1  }
0x17: {  	s4 =	simm.s32 $0x1BF5;
	[smem:$0x3FB8] =	sst s0  }
0x18: {  	s0 =	sld [smem:$0x3F9B];
	_ =	swait.ge [sflag:s4], $0x0  }
0x19: {  	s7 =	sld [smem:$0x3F9C]  }
0x1a: {  	s8 =	sadd.s32 $0xFFFFE003, lr  }
0x1b: {  	s9 =	sadd.s32 $0xFFFFFEF7, lr;
	s5 =	simm.s32 $0xFFFFFFFF;
	p2 =	slt.u32 s8, $0xFFFFF086  }
0x1c: {  	p1 =	slt.u32 s9, $0xF7A;
	s5 =	simm.s32 @!p2 $0x0  }
0x1d: {  	s5 =	simm.s32 @p1 $0x1;
	p0 =	seq.s32 s7, s2  }
0x1e: {  	s7 =	smul.u32 @!p0 $0xF7A, s2;
	p2 =	seq.s32 @!p0 s5, $0x0  }
0x1f: {  	s9 =	smul.u32 $0xF7A, s1;
	s8 =	simm.s32 @!p0 $0x1BF5;
	p2 =	por !p2, p0  }
0x20: {  	[sflag:s8] =	ssyncset.s32 @!p0 $0xFFFFF086;
	s6 =	sadd.s32 @!p0 s3, s7;
	s7 =	simm.s32 @!p0 $0x108  }
0x21: {  	s3 =	sadd.s32 s3, s9;
	s6 =	sadd.s32 @!p0 $0x88, s6;
	s7 =	simm.s32 @p2 $0x1082  }
0x22: {  	[simem:s7], [sflag:s8] =	dma.local @!p0 [hbm:s6], $0xF7A  }
0x23: {  	s9 =	sor.u32 $0xD0000000, s2;
	s6 =	simm.s32 $0x108;
	_ =	swait.ge @!p0 [sflag:s8], $0x0  }
0x24: {  	s3 =	sadd.s32 $0x88, s3;
	s6 =	simm.s32 @!p1 $0x1082;
	[sflag:s4] =	ssyncset.s32 $0xFFFFF086  }
0x25: {  	[simem:s6], [sflag:s4] =	dma.local [hbm:s3], $0xF7A  }
0x26: {  	[smem:$0x3F9C] =	sst s1;
	(tag) =	ssettag s2;
	_ =	strace s9  }
0x27: {  	s1 =	sld [smem:$0x3FAC]  }
0x28: {  	s2 =	sld [smem:$0x3FAD]  }
0x29: {  	s4 =	sld [smem:$0x3FAF]  }
0x2a: {  	p0 =	seq.s32 s5, $0x0;
	s5 =	sld [smem:$0x3FB0]  }
0x2b: {  	s6 =	sld [smem:$0x3FB1]  }
0x2c: {  	s7 =	sld [smem:$0x3FB2]  }
0x2d: {  	s3 =	simm.s32 $0x108;
	s8 =	sld [smem:$0x3FB3]  }
0x2e: {  	s3 =	simm.s32 @!p0 $0x1082;
	s9 =	sld [smem:$0x3FB4]  }
0x2f: {  	lr =	sadd.s32 s0, s3;
	s0 =	sld [smem:$0x3FAB]  }
0x30: {  	s3 =	sld [smem:$0x3FAE]  }
0x31: {  	[smem:$0x3FB7] =	sst s10  }
0x32: {  	s10 =	sld [smem:$0x3FB5];
	_ =	sdelay $0x3  }
0x33: {  	p0 =	seq.s32 s10, $0x1;
	s10 =	sld [smem:$0x3FB7];
	_ =	sdelay $0x3  }
0x34: {  	[smem:$0x3FB7] =	sst s10  }
0x35: {  	s10 =	sld [smem:$0x3FB6];
	_ =	sdelay $0x3  }
0x36: {  	p1 =	seq.s32 s10, $0x1;
	s10 =	sld [smem:$0x3FB7];
	_ =	sdelay $0x3  }
0x37: {  	[smem:$0x3FB7] =	sst s10  }
0x38: {  	s10 =	sld [smem:$0x3FB8]  }
0x39: {  	_ = 	snop;
	(pc) =	sbr.ind lr, $3  }
0x3a: {  	_ = 	snop  }
0x3b: {  	_ = 	snop  }
0x3c: {  	p2 =	seq.s32 s10, $0x1;
	s10 =	sld [smem:$0x3FB7]  }
0x3d: {  	_ =	shalt  }
0x3e: {  	_ =	shalt  }
0x3f: {  	_ =	shalt  }
0x40: {  	_ =	shalt  }
0x41: {  	_ =	shalt  }
0x42: {  	_ =	shalt  }
0x43: {  	_ =	shalt  }
0x44: {  	_ =	shalt  }
0x45: {  	_ =	shalt  }
0x46: {  	_ =	shalt  }
0x47: {  	_ =	shalt  }
0x48: {  	_ =	shalt  }
0x49: {  	_ =	shalt  }
0x4a: {  	_ =	shalt  }
0x4b: {  	_ =	shalt  }
0x4c: {  	_ =	shalt  }
0x4d: {  	_ =	shalt  }
0x4e: {  	_ =	shalt  }
0x4f: {  	_ =	shalt  }
0x50: {  	_ =	shalt  }
0x51: {  	_ =	shalt  }
0x52: {  	_ =	shalt  }
0x53: {  	_ =	shalt  }
0x54: {  	_ =	shalt  }
0x55: {  	_ =	shalt  }
0x56: {  	_ =	shalt  }
0x57: {  	_ =	shalt  }
0x58: {  	_ =	shalt  }
0x59: {  	_ =	shalt  }
0x5a: {  	_ =	shalt  }
0x5b: {  	_ =	shalt  }
0x5c: {  	_ =	shalt  }
0x5d: {  	_ =	shalt  }
0x5e: {  	_ =	shalt  }
0x5f: {  	_ =	shalt  }
0x60: {  	_ =	shalt  }
0x61: {  	_ =	shalt  }
0x62: {  	_ =	shalt  }
0x63: {  	_ =	shalt  }
0x64: {  	_ =	shalt  }
0x65: {  	_ =	shalt  }
0x66: {  	_ =	shalt  }
0x67: {  	_ =	shalt  }
0x68: {  	_ =	shalt  }
0x69: {  	_ =	shalt  }
0x6a: {  	_ =	shalt  }
0x6b: {  	_ =	shalt  }
0x6c: {  	_ =	shalt  }
0x6d: {  	_ =	shalt  }
0x6e: {  	_ =	shalt  }
0x6f: {  	_ =	shalt  }
0x70: {  	_ =	shalt  }
0x71: {  	_ =	shalt  }
0x72: {  	_ =	shalt  }
0x73: {  	_ =	shalt  }
0x74: {  	_ =	shalt  }
0x75: {  	_ =	shalt  }
0x76: {  	_ =	shalt  }
0x77: {  	_ =	shalt  }
0x78: {  	_ =	shalt  }
0x79: {  	_ =	shalt  }
0x7a: {  	_ =	shalt  }
0x7b: {  	_ =	shalt  }
0x7c: {  	_ =	shalt  }
0x7d: {  	_ =	shalt  }
0x7e: {  	_ =	shalt  }
0x7f: {  	_ =	shalt  }
0x80: {  	_ =	shalt  }
0x81: {  	_ =	shalt  }
0x82: {  	_ =	shalt  }
0x83: {  	_ =	shalt  }
0x84: {  	_ =	shalt  }
0x85: {  	_ =	shalt  }
0x86: {  	_ =	shalt  }
0x87: {  	_ =	shalt  }
.Lfunc_end0:
.L_simem_size_0:
called_computation_lowered:
.L_overlay_start_0:
0x88: {  	s2 =	sld [smem:$0x3FD9]  }
0x89: {  	s3 =	sld [smem:$0x3FFE];
	_ =	sdelay $0x1  }
0x8a: {  	s1 =	srdreg.scid  }
0x8b: {  	s0 =	sand.u32 $0x1, s1  }
0x8c: {  	s17 =	sshll.u32 s0, $0xA;
	s2 =	sadd.s32 s3, s2  }
0x8d: {  	s2 =	sadd.s32 s2, s17  }
0x8e: {  	[smem:$0x3FC3] =	sst s2  }
0x8f: {  	_ = 	snop  }
0x90: {  	s2 =	sld [smem:$0x3FC9]  }
0x91: {  	s18 =	sld [smem:$0x3FC8]  }
0x92: {  	s4 =	sld [smem:$0x3FC5]  }
0x93: {  	s5 =	sld [smem:$0x3FD0];
	(tm) =	ssettm $0x1  }
0x94: {  	s6 =	sld [smem:$0x3FFB];
	_ =	sdelay $0x3  }
0x95: {  	_ =	strace s6  }
0x96: {  	s6 =	sld [smem:$0x3FFC];
	_ =	sdelay $0x3  }
0x97: {  	_ =	strace s6  }
0x98: {  	s6 =	sld [smem:$0x3FFD];
	_ =	sdelay $0x3  }
0x99: {  	_ =	strace s6  }
0x9a: {  	_ =	strace $0x8FFFFFFF  }
0x9b: {  	s19 =	sld [smem:$0x3FDB];
	_ =	sdelay $0x1  }
0x9c: {  	s7 =	simm.s32 $_scs_section_size  }
0x9d: {  	s8 =	simm.s32 $_size__tile_overlayer_lowered;
	s9 =	simm.s32 $_tile_overlayer_lowered  }
0x9e: {  	s22 =	simm.s32 $0x1BFF;
	s21 =	sshll.u32 s9, $0x1;
	s6 =	sadd.s32 s7, s19  }
0x9f: {  	s10 =	simm.s32 $0x0;
	s20 =	sshll.u32 s8, $0x1;
	s8 =	sadd.s32 s21, s6  }
0xa0: {  	[timem:s10], [sflag:s22] =	dma.local [hbm:s8], s20  }
0xa1: {  	_ =	swait.ge [sflag:s22], s20  }
0xa2: {  	s7 =	ssub.s32 $0x0, s20;
	[sflag:s22] =	ssyncset.done $0x0  }
0xa3: {  	[sflag:s22] =	ssyncadd.s32 s7;
	_ =	sdelay $0x1  }
0xa4: {  	s23 =	simm.s32 $0x1B8B  }
0xa5: {  	_ =	swait.ge [sflag:s23], $0x1  }
0xa6: {  	[sflag:s23] =	ssyncset.done $0x0  }
0xa7: {  	s25 =	simm.s32 $0x1B8E;
	s24 =	sld [smem:$0x3FFE];
	[sflag:s23] =	ssyncadd.s32 $0xFFFFFFFF  }
0xa8: {  	s26 =	simm.s32 $execute0_lowered;
	[smem:$0x3FD2] =	sst s25  }
0xa9: {  	s8 =	sshll.u32 s26, $0x1;
	_ =	strace $0x80000046;
	[dreg:$0x1] =	wrdreg $0xFFFFFFFF  }
0xaa: {  	s28 =	simm.s32 $_size_execute0_lowered;
	s6 =	sadd.s32 s6, s8;
	[dreg:$0x0] =	wrdreg $0x0  }
0xab: {  	s8 =	sshll.u32 s28, $0x1;
	[dreg:$0x2] =	wrdreg s6  }
0xac: {  	[dreg:$0x3] =	wrdreg s8  }
0xad: {  	[dreg:$0x4] =	wrdreg $0xC0  }
0xae: {  	_ =	task [dreg:s10], $0x5FFFF  }
0xaf: {  	[dreg:$0x1] =	wrdreg $0xFFFFFFFF  }
0xb0: {  	[dreg:$0x0] =	wrdreg $0x60  }
0xb1: {  	[dreg:$0x2] =	wrdreg s2  }
0xb2: {  	[dreg:$0x3] =	wrdreg s18  }
0xb3: {  	[dreg:$0x4] =	wrdreg s4  }
0xb4: {  	[dreg:$0x5] =	wrdreg s5  }
0xb5: {  	[dreg:$0x6] =	wrdreg s24  }
0xb6: {  	[dreg:$0x7] =	wrdreg $0x14A000  }
0xb7: {  	[dreg:$0x8] =	wrdreg $0x9  }
0xb8: {  	_ =	task.clear_ibuf [dreg:s10], $0x9FFFF;
	_ =	strace $0x90000046  }
0xb9: {  	s29 =	simm.s32 $0x9;
	_ =	strace $0x80000048  }
0xba: {  	_ =	swait.ge [sflag:s29], $0x1  }
0xbb: {  	[sflag:s29] =	ssyncadd.s32 $0xFFFFFFFF  }
0xbc: {  	_ =	strace $0x90000048  }
0xbd: {  	_ =	sfence  }
0xbe: {  	s30 =	sld [smem:$0x0];
	_ =	sdelay $0x2  }
0xbf: {  	s31 =	sshll.u32 s1, $0xD;
	s1 =	sshrl.u32 s1, $0x2  }
0xc0: {  	s3 =	sand.u32 $0x4000, s31;
	s1 =	sadd.s32 s1, s30  }
0xc1: {  	s0 =	sor.u32 s3, s0;
	s1 =	sshll.u32 s1, $0x11  }
0xc2: {  	s0 =	sor.u32 s1, s0  }
0xc3: {  	s0 =	sadd.s32 $0x8F2B, s0  }
0xc4: {  	[sflag:s0] =	ssyncadd.remote.s32 $0x1  }
0xc5: {  	_ =	sfence.sel $0xFFFF  }
0xc6: {  	[dreg:$0x0] =	wrdreg $0xFFFFFFFF;
	(pc) =	sbr.abs _section_cstart, $3  }
0xc7: {  	[dreg:$0x1] =	wrdreg $0xFFFFFFFF  }
0xc8: {  	_ =	task.clear_ibuf [dreg:s10], $0x2FFFF;
	_ =	strace $0x9FFFFFFF  }
0xc9: {  	(tm) =	ssettm $0x7FFFFFFF  }
tec
execute0_lowered:
.L_overlay_start_1:
0x0: {  	(tag) =	ssettag $0x1  }
0x1: {  	s0 =	rddreg [dreg:$0x0]  }
0x2: {  	s1 =	rddreg [dreg:$0x1]  }
0x3: {  	s13 =	rddreg [dreg:$0x2]  }
0x4: {  	s4 =	rddreg [dreg:$0x4];
	s3 =	srdreg.scid  }
0x5: {  	s14 =	stileid.u32;
	s2 =	rddreg [dreg:$0x5]  }
0x6: {  	s19 =	simm.s32 $0x13800;
	s20 =	simm.s32 $0x3400;
	s28 =	simm.s32 $0x68  }
0x7: {  	s29 =	simm.s32 $0x2;
	s30 =	simm.s32 $0x3;
	s31 =	simm.s32 $0x4  }
0x8: {  	s21 =	simm.s32 $0x0;
	s5 =	sand.u32 $0x1, s3;
	s22 =	sshll.u32 s14, $0x1  }
0x9: {  	s3 =	simm.s32 $0x0;
	s25 =	sadd.s32 $0x27000, s1;
	s26 =	sadd.s32 $0x4E0, s13  }
0xa: {  	p0 =	sne.s32 s14, $0x0;
	s6 =	smul.u32 $0x680, s5;
	s18 =	sor.u32 s5, s22  }
0xb: {  	s5 =	ssub.s32 $0x2, s5;
	[smem:$0x7FF] =	sst s3;
	s22 =	simm.s32 $0x13880  }
0xc: {  	s8 =	smul.u32 $0x138, s18;
	_ =	strace $0x80000047;
	[dreg:$0x8] =	wrdreg s25  }
0xd: {  	s7 =	sshrl.u32 s5, $0x1;
	s9 =	smul.u32 $0x1380, s18;
	[dreg:$0x9] =	wrdreg s26  }
0xe: {  	p1 =	sne.s32 s18, $0x1F;
	s25 =	simm.s32 $0x13900;
	s26 =	simm.s32 $0x1  }
0xf: {  	s18 =	simm.s32 $0x14980;
	s16 =	sadd.s32 s6, s4;
	s17 =	ssub.s32 s5, s7  }
0x10: {  	s4 =	sadd.s32 s0, s9;
	s23 =	sshrl.u32 s8, $0x3;
	s10 =	sadd.s32 $0x68, s8  }
0x11: {  	s5 =	sadd.s32 s1, s9;
	s12 =	sadd.s32 $0xD0, s8;
	s16 =	sadd.s32 $0xC00, s16  }
0x12: {  	s17 =	smax.u32 s17, $0x1;
	s6 =	sadd.s32 s13, s23;
	s24 =	sshll.u32 s10, $0x4  }
.Ltmp0:
0x13: {  	s10 =	sshrl.u32 s10, $0x3;
	s11 =	sshll.u32 s12, $0x4;
	(pc) =	sbr.rel .LBB2_1-.Ltmp0, $4  }
0x14: {  	s12 =	sshrl.u32 s12, $0x3;
	s23 =	simm.s32 $0x6800;
	s7 =	sadd.s32 s0, s24  }
0x15: {  	s8 =	sadd.s32 s1, s24;
	s9 =	sadd.s32 s13, s10;
	s10 =	sadd.s32 s0, s11  }
0x16: {  	s11 =	sadd.s32 s1, s11;
	s12 =	sadd.s32 s13, s12;
	s0 =	sadd.s32 $0x27000, s0  }
0x17: {  	s1 =	simm.s32 $0x13980;
	[dreg:$0x7] =	wrdreg s0;
	s0 =	simm.s32 $0x5  }
.LBB2_10:
0x18: {  	[tilespmem:s13+$0x13980] =	vst v12;
	v5 =	vsub.f32 v10, v5;
	v63 =	vld [tilespmem:s13+$0x139F0]  }
0x19: {  	[tilespmem:s13+$0x13990] =	vst v11;
	v4 =	vsub.f32 v9, v4  }
0x1a: {  	v3 =	vsub.f32 v8, v3;
	[tilespmem:s13+$0x139A0] =	vst v5  }
0x1b: {  	v2 =	vsub.f32 v6, v2;
	[tilespmem:s13+$0x139B0] =	vst v4  }
0x1c: {  	v1 =	vsub.f32 v7, v1;
	[tilespmem:s13+$0x139C0] =	vst v3  }
0x1d: {  	[tilespmem:s13+$0x139D0] =	vst v2;
	v0 =	vsub.f32 v63, v0  }
0x1e: {  	[tilespmem:s13+$0x139E0] =	vst v1  }
0x1f: {  	s15 =	simm.s32 $0x10;
	[tilespmem:s13+$0x139F0] =	vst v0  }
0x20: {  	[spmem:s2] =	stream.indirect.scatter.add.f32 [tilespmem:s1], [sflag:$0x5], $0x80, s18, s15, $0xb8;
	[tilespmem:$0x14D20] =	vst v63  }
0x21: {  	_ =	swait.ge [sflag:s0], $0x800  }
0x22: {  	[sflag:s0] =	ssyncset.done $0x0  }
0x23: {  	[sflag:s0] =	ssyncadd.s32 $0xFFFFF800  }
.LBB2_11:
0x24: {  	[bflag:$0x0] =	sbarrier.arrive $0xFFFF;
	s13 =	simm.s32 @!p0 $0x1C05;
	s21 =	sadd.s32 $0x1, s21  }
0x25: {  	[hbm:s16], [sflag:s13] =	dma.local @!p0 [spmem:s24], $0x640  }
0x26: {  	p2 =	sne.s32 s21, s17  }
.Ltmp1:
0x27: {  	_ = 	snop;
	(pc) =	sbr.rel @!p2 .LBB2_12-.Ltmp1, $4  }
0x28: {  	s13 =	simm.s32 @!p0 $0x5  }
0x29: {  	_ =	swait.ge @!p0 [sflag:s13], $0x640  }
0x2a: {  	[sflag:s13] =	ssyncset.done @!p0 $0x0  }
0x2b: {  	[sflag:s13] =	ssyncadd.s32 @!p0 $0xFFFFF9C0  }
.LBB2_1:
0x2c: {  	s24 =	sshrl.u32 @!p0 s2, $0x3;
	s13 =	simm.s32 @!p0 $0x1C05;
	s14 =	rddreg [dreg:$0x3]  }
0x2d: {  	[spmem:s24], [sflag:s13] =	dma.local @!p0 [hbm:s14], $0x640  }
0x2e: {  	s13 =	simm.s32 @!p0 $0x5  }
0x2f: {  	_ =	swait.ge @!p0 [sflag:s13], $0x640  }
0x30: {  	[sflag:s13] =	ssyncset.done @!p0 $0x0  }
0x31: {  	[sflag:s13] =	ssyncadd.s32 @!p0 $0xFFFFF9C0  }
0x32: {  	[tilespmem:s3], [sflag:$0x1] =	stream.linear.gather [hbm4b:s4+s3], $0x3400, $0x38;
	[tilespmem:$0x14D20] =	vst v63  }
0x33: {  	s15 =	simm.s32 $0x9C00  }
0x34: {  	[tilespmem:s15], [sflag:$0x1] =	stream.linear.gather [hbm4b:s5+s3], $0x3400, $0x38;
	[tilespmem:$0x14D20] =	vst v63  }
0x35: {  	_ = 	snop  }
0x36: {  	[tilespmem:s19], [sflag:$0x1] =	stream.linear.gather [hbm4b:s6+s3], $0x68, $0x38;
	[tilespmem:$0x14D20] =	vst v63  }
0x37: {  	_ = 	snop  }
0x38: {  	[tilespmem:s20], [sflag:$0x2] =	stream.linear.gather [hbm4b:s7+s3], $0x3400, $0x38;
	[tilespmem:$0x14D20] =	vst v63  }
0x39: {  	s14 =	simm.s32 $0xD000  }
0x3a: {  	[tilespmem:s14], [sflag:$0x2] =	stream.linear.gather [hbm4b:s8+s3], $0x3400, $0x38;
	[tilespmem:$0x14D20] =	vst v63  }
0x3b: {  	_ = 	snop  }
0x3c: {  	[tilespmem:s22], [sflag:$0x2] =	stream.linear.gather [hbm4b:s9+s3], $0x68, $0x38;
	[tilespmem:$0x14D20] =	vst v63  }
0x3d: {  	_ = 	snop  }
0x3e: {  	[tilespmem:s23], [sflag:$0x3] =	stream.linear.gather [hbm4b:s10+s3], $0x3400, $0x38;
	[tilespmem:$0x14D20] =	vst v63  }
0x3f: {  	s15 =	simm.s32 $0x10400  }
0x40: {  	[tilespmem:s15], [sflag:$0x3] =	stream.linear.gather [hbm4b:s11+s3], $0x3400, $0x38;
	[tilespmem:$0x14D20] =	vst v63  }
0x41: {  	_ = 	snop  }
0x42: {  	[tilespmem:s25], [sflag:$0x3] =	stream.linear.gather [hbm4b:s12+s3], $0x68, $0x38;
	[tilespmem:$0x14D20] =	vst v63  }
0x43: {  	[bflag:$0x0] =	sbarrier.arrive $0xFFFF  }
0x44: {  	_ =	swait.ge [sflag:s26], $0x3400  }
0x45: {  	[sflag:s26] =	ssyncset.done $0x0  }
0x46: {  	[sflag:s26] =	ssyncadd.s32 $0xFFFFCC00  }
0x47: {  	_ =	swait.ge [sflag:s26], $0x3400  }
0x48: {  	[sflag:s26] =	ssyncset.done $0x0  }
0x49: {  	[sflag:s26] =	ssyncadd.s32 $0xFFFFCC00  }
0x4a: {  	_ =	swait.ge [sflag:s26], $0x68  }
0x4b: {  	[sflag:s26] =	ssyncset.done $0x0  }
0x4c: {  	s13 =	simm.s32 $0x0;
	[sflag:s26] =	ssyncadd.s32 $0xFFFFFF98  }
0x4d: {  	v7 =	vld [tilespmem:s13+$0x9C00]  }
0x4e: {  	v11 =	vld [tilespmem:s13+$0x9C10]  }
0x4f: {  	v5 =	vld [tilespmem:s13+$0x9C20]  }
0x50: {  	v4 =	vld [tilespmem:s13+$0x9C30]  }
0x51: {  	v3 =	vld [tilespmem:s13+$0x9C40]  }
0x52: {  	v2 =	vld [tilespmem:s13+$0x9C50]  }
0x53: {  	v1 =	vld [tilespmem:s13+$0x9C60]  }
0x54: {  	v0 =	vld [tilespmem:s13+$0x9C70]  }
0x55: {  	v12 =	vld [tilespmem:s13+$0x0]  }
0x56: {  	v13 =	vld [tilespmem:s13+$0x10]  }
0x57: {  	v10 =	vld [tilespmem:s13+$0x20]  }
0x58: {  	v9 =	vld [tilespmem:s13+$0x30]  }
0x59: {  	v8 =	vld [tilespmem:s13+$0x40]  }
0x5a: {  	v6 =	vld [tilespmem:s13+$0x50];
	v12 =	vsub.f32 v12, v7  }
0x5b: {  	s14 =	simm.s32 $0x200;
	v11 =	vsub.f32 v13, v11;
	v7 =	vld [tilespmem:s13+$0x60]  }
.LBB2_2:
0x5c: {  	s15 =	sshra.s32 s14, $0x2;
	p2 =	sne.s32 s14, $0xCE00;
	[tilespmem:s13+$0x0] =	vst v12;
	v5 =	vsub.f32 v10, v5;
	v10 =	vld [tilespmem:s13+$0x70]  }
0x5d: {  	v12 =	vld [tilespmem:s15+$0x9C00];
	[tilespmem:s13+$0x10] =	vst v11;
	v4 =	vsub.f32 v9, v4  }
0x5e: {  	v11 =	vld [tilespmem:s15+$0x9C10];
	[tilespmem:s13+$0x20] =	vst v5;
	v3 =	vsub.f32 v8, v3  }
0x5f: {  	v5 =	vld [tilespmem:s15+$0x9C20];
	[tilespmem:s13+$0x30] =	vst v4;
	v2 =	vsub.f32 v6, v2  }
0x60: {  	v4 =	vld [tilespmem:s15+$0x9C30];
	[tilespmem:s13+$0x40] =	vst v3;
	v1 =	vsub.f32 v7, v1  }
0x61: {  	v3 =	vld [tilespmem:s15+$0x9C40];
	[tilespmem:s13+$0x50] =	vst v2;
	v0 =	vsub.f32 v10, v0  }
0x62: {  	v2 =	vld [tilespmem:s15+$0x9C50];
	[tilespmem:s13+$0x60] =	vst v1  }
0x63: {  	v1 =	vld [tilespmem:s15+$0x9C60];
	[tilespmem:s13+$0x70] =	vst v0;
	s13 =	smov.u32 s15  }
0x64: {  	v0 =	vld [tilespmem:s13+$0x9C70]  }
0x65: {  	v6 =	vld [tilespmem:s13+$0x0]  }
0x66: {  	v7 =	vld [tilespmem:s13+$0x10]  }
.Ltmp2:
0x67: {  	v10 =	vld [tilespmem:s13+$0x20];
	(pc) =	sbr.rel @p2 .LBB2_2-.Ltmp2, $4  }
0x68: {  	v9 =	vld [tilespmem:s13+$0x30]  }
0x69: {  	v8 =	vld [tilespmem:s13+$0x40]  }
0x6a: {  	v12 =	vsub.f32 v6, v12;
	v6 =	vld [tilespmem:s13+$0x50]  }
0x6b: {  	s14 =	sadd.s32 $0x200, s14;
	v11 =	vsub.f32 v7, v11;
	v7 =	vld [tilespmem:s13+$0x60]  }
0x6c: {  	[tilespmem:s13+$0x0] =	vst v12;
	v5 =	vsub.f32 v10, v5;
	v10 =	vld [tilespmem:s13+$0x70]  }
0x6d: {  	[tilespmem:s13+$0x10] =	vst v11;
	v4 =	vsub.f32 v9, v4  }
0x6e: {  	[tilespmem:s13+$0x20] =	vst v5;
	v3 =	vsub.f32 v8, v3  }
0x6f: {  	[tilespmem:s13+$0x30] =	vst v4;
	v2 =	vsub.f32 v6, v2  }
0x70: {  	[tilespmem:s13+$0x40] =	vst v3;
	v1 =	vsub.f32 v7, v1  }
0x71: {  	[tilespmem:s13+$0x50] =	vst v2;
	v0 =	vsub.f32 v10, v0  }
0x72: {  	[tilespmem:s13+$0x60] =	vst v1  }
0x73: {  	s15 =	simm.s32 $0x0;
	[tilespmem:s13+$0x70] =	vst v0  }
0x74: {  	[spmem:s2] =	stream.indirect.scatter.add.f32 [tilespmem:s15], [sflag:$0x4], $0x80, s19, s28, $0xb8;
	[tilespmem:$0x14D20] =	vst v63  }
0x75: {  	_ =	swait.ge [sflag:s29], $0x3400  }
0x76: {  	[sflag:s29] =	ssyncset.done $0x0  }
0x77: {  	[sflag:s29] =	ssyncadd.s32 $0xFFFFCC00  }
0x78: {  	_ =	swait.ge [sflag:s29], $0x3400  }
0x79: {  	[sflag:s29] =	ssyncset.done $0x0  }
0x7a: {  	[sflag:s29] =	ssyncadd.s32 $0xFFFFCC00  }
0x7b: {  	_ =	swait.ge [sflag:s29], $0x68  }
0x7c: {  	[sflag:s29] =	ssyncset.done $0x0  }
0x7d: {  	s13 =	simm.s32 $0x0;
	[sflag:s29] =	ssyncadd.s32 $0xFFFFFF98  }
0x7e: {  	v7 =	vld [tilespmem:s13+$0xD000]  }
0x7f: {  	v11 =	vld [tilespmem:s13+$0xD010]  }
0x80: {  	v5 =	vld [tilespmem:s13+$0xD020]  }
0x81: {  	v4 =	vld [tilespmem:s13+$0xD030]  }
0x82: {  	v3 =	vld [tilespmem:s13+$0xD040]  }
0x83: {  	v2 =	vld [tilespmem:s13+$0xD050]  }
0x84: {  	v1 =	vld [tilespmem:s13+$0xD060]  }
0x85: {  	v0 =	vld [tilespmem:s13+$0xD070]  }
0x86: {  	v12 =	vld [tilespmem:s13+$0x3400]  }
0x87: {  	v13 =	vld [tilespmem:s13+$0x3410]  }
0x88: {  	v10 =	vld [tilespmem:s13+$0x3420]  }
0x89: {  	v9 =	vld [tilespmem:s13+$0x3430]  }
0x8a: {  	v8 =	vld [tilespmem:s13+$0x3440]  }
0x8b: {  	v6 =	vld [tilespmem:s13+$0x3450];
	v12 =	vsub.f32 v12, v7  }
0x8c: {  	s14 =	simm.s32 $0x200;
	v11 =	vsub.f32 v13, v11;
	v7 =	vld [tilespmem:s13+$0x3460]  }
.LBB2_4:
0x8d: {  	s15 =	sshra.s32 s14, $0x2;
	p2 =	sne.s32 s14, $0xCE00;
	[tilespmem:s13+$0x3400] =	vst v12;
	v5 =	vsub.f32 v10, v5;
	v10 =	vld [tilespmem:s13+$0x3470]  }
0x8e: {  	v12 =	vld [tilespmem:s15+$0xD000];
	[tilespmem:s13+$0x3410] =	vst v11;
	v4 =	vsub.f32 v9, v4  }
0x8f: {  	v11 =	vld [tilespmem:s15+$0xD010];
	[tilespmem:s13+$0x3420] =	vst v5;
	v3 =	vsub.f32 v8, v3  }
0x90: {  	v5 =	vld [tilespmem:s15+$0xD020];
	[tilespmem:s13+$0x3430] =	vst v4;
	v2 =	vsub.f32 v6, v2  }
0x91: {  	v4 =	vld [tilespmem:s15+$0xD030];
	[tilespmem:s13+$0x3440] =	vst v3;
	v1 =	vsub.f32 v7, v1  }
0x92: {  	v3 =	vld [tilespmem:s15+$0xD040];
	[tilespmem:s13+$0x3450] =	vst v2;
	v0 =	vsub.f32 v10, v0  }
0x93: {  	v2 =	vld [tilespmem:s15+$0xD050];
	[tilespmem:s13+$0x3460] =	vst v1  }
0x94: {  	v1 =	vld [tilespmem:s15+$0xD060];
	[tilespmem:s13+$0x3470] =	vst v0;
	s13 =	smov.u32 s15  }
0x95: {  	v0 =	vld [tilespmem:s13+$0xD070]  }
0x96: {  	v6 =	vld [tilespmem:s13+$0x3400]  }
0x97: {  	v7 =	vld [tilespmem:s13+$0x3410]  }
.Ltmp3:
0x98: {  	v10 =	vld [tilespmem:s13+$0x3420];
	(pc) =	sbr.rel @p2 .LBB2_4-.Ltmp3, $4  }
0x99: {  	v9 =	vld [tilespmem:s13+$0x3430]  }
0x9a: {  	v8 =	vld [tilespmem:s13+$0x3440]  }
0x9b: {  	v12 =	vsub.f32 v6, v12;
	v6 =	vld [tilespmem:s13+$0x3450]  }
0x9c: {  	s14 =	sadd.s32 $0x200, s14;
	v11 =	vsub.f32 v7, v11;
	v7 =	vld [tilespmem:s13+$0x3460]  }
0x9d: {  	[tilespmem:s13+$0x3400] =	vst v12;
	v5 =	vsub.f32 v10, v5;
	v10 =	vld [tilespmem:s13+$0x3470]  }
0x9e: {  	[tilespmem:s13+$0x3410] =	vst v11;
	v4 =	vsub.f32 v9, v4  }
0x9f: {  	[tilespmem:s13+$0x3420] =	vst v5;
	v3 =	vsub.f32 v8, v3  }
0xa0: {  	[tilespmem:s13+$0x3430] =	vst v4;
	v2 =	vsub.f32 v6, v2  }
0xa1: {  	[tilespmem:s13+$0x3440] =	vst v3;
	v1 =	vsub.f32 v7, v1  }
0xa2: {  	[tilespmem:s13+$0x3450] =	vst v2;
	v0 =	vsub.f32 v10, v0  }
0xa3: {  	[tilespmem:s13+$0x3460] =	vst v1  }
0xa4: {  	[tilespmem:s13+$0x3470] =	vst v0  }
0xa5: {  	[spmem:s2] =	stream.indirect.scatter.add.f32 [tilespmem:s20], [sflag:$0x4], $0x80, s22, s28, $0xb8;
	[tilespmem:$0x14D20] =	vst v63  }
0xa6: {  	_ =	swait.ge [sflag:s30], $0x3400  }
0xa7: {  	[sflag:s30] =	ssyncset.done $0x0  }
0xa8: {  	[sflag:s30] =	ssyncadd.s32 $0xFFFFCC00  }
0xa9: {  	_ =	swait.ge [sflag:s30], $0x3400  }
0xaa: {  	[sflag:s30] =	ssyncset.done $0x0  }
0xab: {  	[sflag:s30] =	ssyncadd.s32 $0xFFFFCC00  }
0xac: {  	_ =	swait.ge [sflag:s30], $0x68  }
0xad: {  	[sflag:s30] =	ssyncset.done $0x0  }
0xae: {  	s13 =	simm.s32 $0x0;
	[sflag:s30] =	ssyncadd.s32 $0xFFFFFF98  }
0xaf: {  	v7 =	vld [tilespmem:s13+$0x10400]  }
0xb0: {  	v11 =	vld [tilespmem:s13+$0x10410]  }
0xb1: {  	v5 =	vld [tilespmem:s13+$0x10420]  }
0xb2: {  	v4 =	vld [tilespmem:s13+$0x10430]  }
0xb3: {  	v3 =	vld [tilespmem:s13+$0x10440]  }
0xb4: {  	v2 =	vld [tilespmem:s13+$0x10450]  }
0xb5: {  	v1 =	vld [tilespmem:s13+$0x10460]  }
0xb6: {  	v0 =	vld [tilespmem:s13+$0x10470]  }
0xb7: {  	v12 =	vld [tilespmem:s13+$0x6800]  }
0xb8: {  	v13 =	vld [tilespmem:s13+$0x6810]  }
0xb9: {  	v10 =	vld [tilespmem:s13+$0x6820]  }
0xba: {  	v9 =	vld [tilespmem:s13+$0x6830]  }
0xbb: {  	v8 =	vld [tilespmem:s13+$0x6840]  }
0xbc: {  	v6 =	vld [tilespmem:s13+$0x6850];
	v12 =	vsub.f32 v12, v7  }
0xbd: {  	s14 =	simm.s32 $0x200;
	v11 =	vsub.f32 v13, v11;
	v7 =	vld [tilespmem:s13+$0x6860]  }
.LBB2_6:
0xbe: {  	s15 =	sshra.s32 s14, $0x2;
	p2 =	sne.s32 s14, $0xCE00;
	[tilespmem:s13+$0x6800] =	vst v12;
	v5 =	vsub.f32 v10, v5;
	v10 =	vld [tilespmem:s13+$0x6870]  }
0xbf: {  	v12 =	vld [tilespmem:s15+$0x10400];
	[tilespmem:s13+$0x6810] =	vst v11;
	v4 =	vsub.f32 v9, v4  }
0xc0: {  	v11 =	vld [tilespmem:s15+$0x10410];
	[tilespmem:s13+$0x6820] =	vst v5;
	v3 =	vsub.f32 v8, v3  }
0xc1: {  	v5 =	vld [tilespmem:s15+$0x10420];
	[tilespmem:s13+$0x6830] =	vst v4;
	v2 =	vsub.f32 v6, v2  }
0xc2: {  	v4 =	vld [tilespmem:s15+$0x10430];
	[tilespmem:s13+$0x6840] =	vst v3;
	v1 =	vsub.f32 v7, v1  }
0xc3: {  	v3 =	vld [tilespmem:s15+$0x10440];
	[tilespmem:s13+$0x6850] =	vst v2;
	v0 =	vsub.f32 v10, v0  }
0xc4: {  	v2 =	vld [tilespmem:s15+$0x10450];
	[tilespmem:s13+$0x6860] =	vst v1  }
0xc5: {  	v1 =	vld [tilespmem:s15+$0x10460];
	[tilespmem:s13+$0x6870] =	vst v0;
	s13 =	smov.u32 s15  }
0xc6: {  	v0 =	vld [tilespmem:s13+$0x10470]  }
0xc7: {  	v6 =	vld [tilespmem:s13+$0x6800]  }
0xc8: {  	v7 =	vld [tilespmem:s13+$0x6810]  }
.Ltmp4:
0xc9: {  	v10 =	vld [tilespmem:s13+$0x6820];
	(pc) =	sbr.rel @p2 .LBB2_6-.Ltmp4, $4  }
0xca: {  	v9 =	vld [tilespmem:s13+$0x6830]  }
0xcb: {  	v8 =	vld [tilespmem:s13+$0x6840]  }
0xcc: {  	v12 =	vsub.f32 v6, v12;
	v6 =	vld [tilespmem:s13+$0x6850]  }
0xcd: {  	s14 =	sadd.s32 $0x200, s14;
	v11 =	vsub.f32 v7, v11;
	v7 =	vld [tilespmem:s13+$0x6860]  }
0xce: {  	[tilespmem:s13+$0x6800] =	vst v12;
	v5 =	vsub.f32 v10, v5;
	v63 =	vld [tilespmem:s13+$0x6870]  }
0xcf: {  	[tilespmem:s13+$0x6810] =	vst v11;
	v4 =	vsub.f32 v9, v4  }
0xd0: {  	[tilespmem:s13+$0x6820] =	vst v5;
	v3 =	vsub.f32 v8, v3  }
0xd1: {  	[tilespmem:s13+$0x6830] =	vst v4;
	v2 =	vsub.f32 v6, v2  }
0xd2: {  	[tilespmem:s13+$0x6840] =	vst v3;
	v1 =	vsub.f32 v7, v1  }
0xd3: {  	[tilespmem:s13+$0x6850] =	vst v2;
	v0 =	vsub.f32 v63, v0  }
0xd4: {  	[tilespmem:s13+$0x6860] =	vst v1  }
0xd5: {  	[tilespmem:s13+$0x6870] =	vst v0  }
0xd6: {  	[spmem:s2] =	stream.indirect.scatter.add.f32 [tilespmem:s23], [sflag:$0x4], $0x80, s25, s28, $0xb8;
	[tilespmem:$0x14D20] =	vst v63  }
0xd7: {  	_ =	swait.ge [sflag:s31], $0x3400  }
0xd8: {  	[sflag:s31] =	ssyncset.done $0x0  }
0xd9: {  	[sflag:s31] =	ssyncadd.s32 $0xFFFFCC00  }
0xda: {  	_ =	swait.ge [sflag:s31], $0x3400  }
.Ltmp5:
0xdb: {  	[sflag:s31] =	ssyncset.done $0x0;
	(pc) =	sbr.rel @p1 .LBB2_11-.Ltmp5, $4  }
0xdc: {  	[sflag:s31] =	ssyncadd.s32 $0xFFFFCC00  }
0xdd: {  	_ =	swait.ge [sflag:s31], $0x3400  }
0xde: {  	[sflag:s31] =	ssyncset.done $0x0  }
0xdf: {  	[sflag:s31] =	ssyncadd.s32 $0xFFFFCC00  }
0xe0: {  	s13 =	simm.s32 $0x0;
	s14 =	rddreg [dreg:$0x7]  }
0xe1: {  	[tilespmem:s1], [sflag:$0x5] =	stream.linear.gather [hbm4b:s14+s13], $0x800, $0x38;
	[tilespmem:$0x14D20] =	vst v63  }
0xe2: {  	_ =	swait.ge [sflag:s0], $0x800  }
0xe3: {  	[sflag:s0] =	ssyncset.done $0x0  }
0xe4: {  	s15 =	simm.s32 $0x14180;
	s14 =	rddreg [dreg:$0x8];
	[sflag:s0] =	ssyncadd.s32 $0xFFFFF800  }
0xe5: {  	[tilespmem:s15], [sflag:$0x5] =	stream.linear.gather [hbm4b:s14+s13], $0x800, $0x38;
	[tilespmem:$0x14D20] =	vst v63  }
0xe6: {  	_ =	swait.ge [sflag:s0], $0x800  }
0xe7: {  	[sflag:s0] =	ssyncset.done $0x0  }
0xe8: {  	s15 =	rddreg [dreg:$0x9];
	[sflag:s0] =	ssyncadd.s32 $0xFFFFF800  }
0xe9: {  	[tilespmem:s18], [sflag:$0x5] =	stream.linear.gather [hbm4b:s15+s13], $0x10, $0x38;
	[tilespmem:$0x14D20] =	vst v63  }
0xea: {  	_ =	swait.ge [sflag:s0], $0x10  }
0xeb: {  	[sflag:s0] =	ssyncset.done $0x0  }
0xec: {  	s13 =	simm.s32 $0x0;
	[sflag:s0] =	ssyncadd.s32 $0xFFFFFFF0  }
0xed: {  	v7 =	vld [tilespmem:s13+$0x14180]  }
0xee: {  	v11 =	vld [tilespmem:s13+$0x14190]  }
0xef: {  	v5 =	vld [tilespmem:s13+$0x141A0]  }
0xf0: {  	v4 =	vld [tilespmem:s13+$0x141B0]  }
0xf1: {  	v3 =	vld [tilespmem:s13+$0x141C0]  }
0xf2: {  	v2 =	vld [tilespmem:s13+$0x141D0]  }
0xf3: {  	v1 =	vld [tilespmem:s13+$0x141E0]  }
0xf4: {  	v0 =	vld [tilespmem:s13+$0x141F0]  }
0xf5: {  	v12 =	vld [tilespmem:s13+$0x13980]  }
0xf6: {  	v13 =	vld [tilespmem:s13+$0x13990]  }
0xf7: {  	v10 =	vld [tilespmem:s13+$0x139A0]  }
0xf8: {  	v9 =	vld [tilespmem:s13+$0x139B0]  }
0xf9: {  	v8 =	vld [tilespmem:s13+$0x139C0]  }
0xfa: {  	v6 =	vld [tilespmem:s13+$0x139D0];
	v12 =	vsub.f32 v12, v7  }
0xfb: {  	s14 =	simm.s32 $0x200;
	v11 =	vsub.f32 v13, v11;
	v7 =	vld [tilespmem:s13+$0x139E0]  }
.LBB2_9:
0xfc: {  	s15 =	sshra.s32 s14, $0x2;
	p2 =	sne.s32 s14, $0x1E00;
	[tilespmem:s13+$0x13980] =	vst v12;
	v5 =	vsub.f32 v10, v5;
	v10 =	vld [tilespmem:s13+$0x139F0]  }
0xfd: {  	v4 =	vsub.f32 v9, v4;
	v12 =	vld [tilespmem:s15+$0x14180];
	[tilespmem:s13+$0x13990] =	vst v11  }
0xfe: {  	v3 =	vsub.f32 v8, v3;
	v11 =	vld [tilespmem:s15+$0x14190];
	[tilespmem:s13+$0x139A0] =	vst v5  }
0xff: {  	v2 =	vsub.f32 v6, v2;
	v5 =	vld [tilespmem:s15+$0x141A0];
	[tilespmem:s13+$0x139B0] =	vst v4  }
0x100: {  	v1 =	vsub.f32 v7, v1;
	v4 =	vld [tilespmem:s15+$0x141B0];
	[tilespmem:s13+$0x139C0] =	vst v3  }
0x101: {  	v3 =	vld [tilespmem:s15+$0x141C0];
	[tilespmem:s13+$0x139D0] =	vst v2;
	v0 =	vsub.f32 v10, v0  }
0x102: {  	v2 =	vld [tilespmem:s15+$0x141D0];
	[tilespmem:s13+$0x139E0] =	vst v1  }
0x103: {  	v1 =	vld [tilespmem:s15+$0x141E0];
	[tilespmem:s13+$0x139F0] =	vst v0;
	s13 =	smov.u32 s15  }
0x104: {  	v0 =	vld [tilespmem:s13+$0x141F0]  }
0x105: {  	v6 =	vld [tilespmem:s13+$0x13980]  }
0x106: {  	v7 =	vld [tilespmem:s13+$0x13990]  }
.Ltmp6:
0x107: {  	v10 =	vld [tilespmem:s13+$0x139A0];
	(pc) =	sbr.rel @p2 .LBB2_9-.Ltmp6, $4  }
0x108: {  	v9 =	vld [tilespmem:s13+$0x139B0]  }
0x109: {  	v8 =	vld [tilespmem:s13+$0x139C0]  }
0x10a: {  	v12 =	vsub.f32 v6, v12;
	v6 =	vld [tilespmem:s13+$0x139D0]  }
0x10b: {  	s14 =	sadd.s32 $0x200, s14;
	v11 =	vsub.f32 v7, v11;
	v7 =	vld [tilespmem:s13+$0x139E0]  }
.Ltmp7:
0x10c: {  	_ = 	snop;
	(pc) =	sbr.rel .LBB2_10-.Ltmp7, $1  }
0x10d: {  	_ =	sdelay $0x3  }
.LBB2_12:
0x10e: {  	_ =	sfence.sel $0x180000  }
0x10f: {  	[bflag:$0x0] =	sbarrier.arrive $0xFFFF  }
0x110: {  	_ =	strace $0x90000047  }
0x111: {  	[bflag:$0x2] =	sbarrier.arrive $0xFFFF  }
0x112: {  	s0 =	rddreg [dreg:$0x6]  }
0x113: {  	s0 =	sadd.s32 @!p0 $0x100000, s0  }
0x114: {  	[sflag:s0] =	ssyncadd.tile.s32 @!p0 $0x1;
	_ =	shalt  }
.Lfunc_end2:
_tile_overlayer_lowered:
.L_overlay_start_2:
0x115: {  	(tag) =	ssettag $0x2  }
0x116: {  	s0 =	rddreg [dreg:$0x0];
	s2 =	stileid.u32  }
0x117: {  	s1 =	rddreg [dreg:$0x1];
	p0 =	sne.s32 s2, $0x0  }
0x118: {  	s3 =	rddreg [dreg:$0x2];
	[bflag:$0x3] =	sbarrier.arrive $0xFFFF;
	s2 =	simm.s32 @!p0 $0x1C05  }
0x119: {  	[timem:s3], [sflag:s2] =	dma.local @!p0 [hbm:s0], s1  }
0x11a: {  	s0 =	simm.s32 @!p0 $0x5  }
0x11b: {  	_ =	swait.ge @!p0 [sflag:s0], s1  }
0x11c: {  	s1 =	ssub.s32 @!p0 $0x0, s1;
	[sflag:s0] =	ssyncset.done @!p0 $0x0  }
0x11d: {  	[sflag:s0] =	ssyncadd.s32 @!p0 s1  }
0x11e: {  	[bflag:$0x3] =	sbarrier.arrive $0xFFFF  }
0x11f: {  	_ =	shalt  }

</sc_bundles>
